<compile_context>
chip_gen: v7x
topology: tpu7x:2x2x1
jax: 0.10.2.dev20260603
libtpu: 0.0.44.dev20260713+nightly
codegen_flags: <defaults>
</compile_context>

<pallas_src>
import functools

import jax
import jax.numpy as jnp
from jax import lax
from jax.experimental import pallas as pl
from jax.experimental.pallas import tpu as pltpu
from jax.experimental.pallas import tpu_sc as plsc

EMB = 2048
NEXP = 64


_TOK_BLK = 1024


def _tc_body(nslab, slab, x_ref, w_ref, b_ref, probs_ref, loadp_ref):
    logits = lax.dot_general(
        w_ref[...], x_ref[...], (((1,), (1,)), ((), ())),
        preferred_element_type=jnp.float32)
    logits = logits + b_ref[...]
    m = jnp.max(logits, axis=0, keepdims=True)
    e = jnp.exp(logits - m)
    s = jnp.sum(e, axis=0, keepdims=True)
    p = e / s
    for k in range(nslab):
        probs_ref[k] = p[:, k * slab:(k + 1) * slab]

    @pl.when(pl.program_id(0) == 0)
    def _init():
        loadp_ref[...] = jnp.zeros_like(loadp_ref)

    loadp_ref[...] += jnp.sum(p, axis=1, keepdims=True)


def _tc_probs(xf, W, b2, chunk_len, slab):
    nblk = chunk_len // _TOK_BLK
    nslab = _TOK_BLK // slab
    return pl.pallas_call(
        functools.partial(_tc_body, nslab, slab),
        grid=(nblk,),
        in_specs=[
            pl.BlockSpec((_TOK_BLK, EMB), lambda i: (i, 0)),
            pl.BlockSpec((NEXP, EMB), lambda i: (0, 0)),
            pl.BlockSpec((NEXP, 1), lambda i: (0, 0)),
        ],
        out_specs=[
            pl.BlockSpec((nslab, NEXP, slab), lambda i: (i, 0, 0)),
            pl.BlockSpec((NEXP, 128), lambda i: (0, 0)),
        ],
        out_shape=[
            jax.ShapeDtypeStruct((chunk_len // slab, NEXP, slab), jnp.float32),
            jax.ShapeDtypeStruct((NEXP, 128), jnp.float32),
        ],
    )(xf, W, b2)



_LANES = 16


def _tourney2(m1s, i1s, m2s, i2s):
    while len(m1s) > 1:
        nm1, ni1, nm2, ni2 = [], [], [], []
        for a in range(0, len(m1s), 2):
            am1, ai1, am2, ai2 = m1s[a], i1s[a], m2s[a], i2s[a]
            bm1, bi1, bm2, bi2 = m1s[a + 1], i1s[a + 1], m2s[a + 1], i2s[a + 1]
            take1 = bm1 > am1
            nm1.append(jnp.where(take1, bm1, am1))
            ni1.append(jnp.where(take1, bi1, ai1))
            ca = jnp.where(take1, am1, am2)
            cai = jnp.where(take1, ai1, ai2)
            cb = jnp.where(take1, bm2, bm1)
            cbi = jnp.where(take1, bi2, bi1)
            take2 = cb > ca
            nm2.append(jnp.where(take2, cb, ca))
            ni2.append(jnp.where(take2, cbi, cai))
        m1s, i1s, m2s, i2s = nm1, ni1, nm2, ni2
    return m1s[0], i1s[0], m2s[0], i2s[0]


_SC_CORES = 2


def _sc_topk_call(probsT, n):
    nworker = 16 * _SC_CORES
    chunk = n // nworker
    groups = chunk // _LANES
    mesh = plsc.VectorSubcoreMesh(
        core_axis_name="c", subcore_axis_name="s", num_cores=_SC_CORES)

    @functools.partial(
        pl.kernel,
        out_type=[
            jax.ShapeDtypeStruct((n,), jnp.float32),
            jax.ShapeDtypeStruct((n,), jnp.float32),
            jax.ShapeDtypeStruct((n,), jnp.int32),
            jax.ShapeDtypeStruct((n,), jnp.int32),
        ],
        mesh=mesh,
        scratch_types=[
            pltpu.VMEM((NEXP, chunk), jnp.float32),
            pltpu.VMEM((chunk,), jnp.float32),
            pltpu.VMEM((chunk,), jnp.float32),
            pltpu.VMEM((chunk,), jnp.int32),
            pltpu.VMEM((chunk,), jnp.int32),
        ],
    )
    def sc_topk(probs_hbm, g1_hbm, g2_hbm, i1_hbm, i2_hbm,
                pv, g1v, g2v, i1v, i2v):
        wid = lax.axis_index("s") * _SC_CORES + lax.axis_index("c")
        base = wid * chunk
        pltpu.sync_copy(probs_hbm.at[wid], pv)

        def group(g, carry):
            off = g * _LANES
            m1s, i1s, m2s, i2s = [], [], [], []
            for j in range(0, NEXP, 2):
                va = pv[j, pl.ds(off, _LANES)]
                vb = pv[j + 1, pl.ds(off, _LANES)]
                take = vb > va
                m1s.append(jnp.where(take, vb, va))
                i1s.append(jnp.where(take, j + 1, j).astype(jnp.int32))
                m2s.append(jnp.where(take, va, vb))
                i2s.append(jnp.where(take, j, j + 1).astype(jnp.int32))
            m1, i1, m2, i2 = _tourney2(m1s, i1s, m2s, i2s)
            denom = m1 + m2 + jnp.float32(1e-8)
            g1v[pl.ds(off, _LANES)] = m1 / denom
            g2v[pl.ds(off, _LANES)] = m2 / denom
            i1v[pl.ds(off, _LANES)] = i1
            i2v[pl.ds(off, _LANES)] = i2
            return carry

        lax.fori_loop(0, groups, group, 0)
        pltpu.sync_copy(g1v, g1_hbm.at[pl.ds(base, chunk)])
        pltpu.sync_copy(g2v, g2_hbm.at[pl.ds(base, chunk)])
        pltpu.sync_copy(i1v, i1_hbm.at[pl.ds(base, chunk)])
        pltpu.sync_copy(i2v, i2_hbm.at[pl.ds(base, chunk)])

    return sc_topk(probsT)


def kernel(x, W, b):
    bsz, seq, _ = x.shape
    n = bsz * seq
    sc_chunk = n // (16 * _SC_CORES)
    xf = x.reshape(n, EMB)
    b2 = b.reshape(NEXP, 1)
    probsT, loadp = _tc_probs(xf, W, b2, n, sc_chunk)
    g1, g2, i1, i2 = _sc_topk_call(probsT, n)
    gates = jnp.stack([g1, g2], axis=-1).reshape(bsz, seq, 2)
    indices = jnp.stack([i1, i2], axis=-1).reshape(bsz, seq, 2)
    load = loadp[:, 0] / jnp.float32(n)
    return gates, indices, load

# --- scband reference (transcript-rebuilt; emitter-appended) ---
"""Pipeline reference for scband-sparse-gating-89945205113192 (READ-ONLY COPY).

The authoritative reference and input builder live on the scoring server;
editing this copy changes nothing except your own understanding.
"""

import jax, jax.numpy as jnp
import numpy as np

EMBED_DIM = 2048
NUM_EXPERTS = 64
TOP_K = 2

def setup_inputs(seed: int = 0) -> dict:
    key = jax.random.key(seed)
    kx, kw, kb = jax.random.split(key, 3)
    x = jax.random.normal(kx, (4, 4096, EMBED_DIM), dtype=jnp.float32)
    # nn.Linear(embed_dim, num_experts): weight [E, D], bias [E]
    bound = 1.0 / np.sqrt(EMBED_DIM)
    W = jax.random.uniform(kw, (NUM_EXPERTS, EMBED_DIM), dtype=jnp.float32, minval=-bound, maxval=bound)
    b = jax.random.uniform(kb, (NUM_EXPERTS,), dtype=jnp.float32, minval=-bound, maxval=bound)
    return {"x": x, "W": W, "b": b}

def reference(x, W, b):
    # gate_logits = self.gate(x)
    gate_logits = jnp.einsum('bsd,ed->bse', x, W) + b
    # noise_std == 0.0 -> noise branch is a no-op (faithful to torch module config)
    gate_probs = jax.nn.softmax(gate_logits, axis=-1)
    gates, indices = jax.lax.top_k(gate_probs, TOP_K)
    gates = gates / (jnp.sum(gates, axis=-1, keepdims=True) + 1e-08)
    load = jnp.mean(gate_probs, axis=(0, 1))
    return (gates, indices, load)

if __name__ == "__main__":
    import jax
    _d = setup_inputs()
    print(jax.jit(kernel)(*tuple(_d.values())))

</pallas_src>

<mosaic_0001>
#map = affine_map<(d0, d1) -> (0, 0, 0)>
#map1 = affine_map<(d0, d1) -> (0)>
module attributes {stable_mosaic.version = 14 : i64} {
  func.func @sc_topk(%arg0: i32, %arg1: i32, %arg2: memref<32x64x512xf32, #tpu.memory_space<hbm>>, %arg3: memref<16384xf32, #tpu.memory_space<hbm>>, %arg4: memref<16384xf32, #tpu.memory_space<hbm>>, %arg5: memref<16384xi32, #tpu.memory_space<hbm>>, %arg6: memref<16384xi32, #tpu.memory_space<hbm>>, %arg7: memref<64x512xf32, #tpu.memory_space<vmem>>, %arg8: memref<512xf32, #tpu.memory_space<vmem>>, %arg9: memref<512xf32, #tpu.memory_space<vmem>>, %arg10: memref<512xi32, #tpu.memory_space<vmem>>, %arg11: memref<512xi32, #tpu.memory_space<vmem>>) attributes {dimension_semantics = [#tpu.dimension_semantics<core_parallel>, #tpu.dimension_semantics<subcore_parallel>], iteration_bounds = array<i64: 2, 16>, scalar_prefetch = 0 : i64, scratch_operands = 5 : i64, tpu.core_type = #tpu.core_type<sc_vector_subcore>, window_params = [{transform_indices = #map}, {transform_indices = #map1}, {transform_indices = #map1}, {transform_indices = #map1}, {transform_indices = #map1}]} {
    %mul3A = arith.constant 2 : i32
    %mul3A_0 = arith.muli %arg1, %mul3A : i32
    %add3A = arith.addi %mul3A_0, %arg0 : i32
    %mul3A_1 = arith.constant 512 : i32
    %mul3A_2 = arith.muli %add3A, %mul3A_1 : i32
    "tpu.region"() ({
      %run_scoped3A = tpu.sem_alloc : memref<!tpu.dma_semaphore, #tpu.memory_space<semaphore_mem>>
      %dma_start3A = arith.constant 0 : i32
      %dma_start3A_8 = arith.constant 0 : i32
      %dma_start3A_9 = tpu.memref_slice %arg2[%add3A, %dma_start3A, %dma_start3A_8] : memref<32x64x512xf32, #tpu.memory_space<hbm>> -> memref<1x64x512xf32, #tpu.memory_space<hbm>>
      %dma_start3A_10 = tpu.memref_squeeze %dma_start3A_9 : memref<1x64x512xf32, #tpu.memory_space<hbm>> -> memref<64x512xf32, #tpu.memory_space<hbm>>
      %dma_start3A_11 = arith.constant 0 : i32
      %dma_start3A_12 = arith.constant 0 : i32
      %dma_start3A_13 = tpu.memref_slice %arg2[%add3A, %dma_start3A_11, %dma_start3A_12] : memref<32x64x512xf32, #tpu.memory_space<hbm>> -> memref<1x64x512xf32, #tpu.memory_space<hbm>>
      %dma_start3A_14 = tpu.memref_squeeze %dma_start3A_13 : memref<1x64x512xf32, #tpu.memory_space<hbm>> -> memref<64x512xf32, #tpu.memory_space<hbm>>
      tpu.enqueue_dma source(%dma_start3A_14 : memref<64x512xf32, #tpu.memory_space<hbm>>) target(%arg7 : memref<64x512xf32, #tpu.memory_space<vmem>>) target_semaphore(%run_scoped3A : memref<!tpu.dma_semaphore, #tpu.memory_space<semaphore_mem>>)
      %dma_wait3A = arith.constant 0 : i32
      %dma_wait3A_15 = arith.constant 0 : i32
      %dma_wait3A_16 = tpu.memref_slice %arg2[%add3A, %dma_wait3A, %dma_wait3A_15] : memref<32x64x512xf32, #tpu.memory_space<hbm>> -> memref<1x64x512xf32, #tpu.memory_space<hbm>>
      %dma_wait3A_17 = tpu.memref_squeeze %dma_wait3A_16 : memref<1x64x512xf32, #tpu.memory_space<hbm>> -> memref<64x512xf32, #tpu.memory_space<hbm>>
      %dma_wait3A_18 = arith.constant 0 : i32
      %dma_wait3A_19 = arith.constant 0 : i32
      %dma_wait3A_20 = tpu.memref_slice %arg2[%add3A, %dma_wait3A_18, %dma_wait3A_19] : memref<32x64x512xf32, #tpu.memory_space<hbm>> -> memref<1x64x512xf32, #tpu.memory_space<hbm>>
      %dma_wait3A_21 = tpu.memref_squeeze %dma_wait3A_20 : memref<1x64x512xf32, #tpu.memory_space<hbm>> -> memref<64x512xf32, #tpu.memory_space<hbm>>
      tpu.wait_dma2 semaphore(%run_scoped3A : memref<!tpu.dma_semaphore, #tpu.memory_space<semaphore_mem>>) src(%dma_wait3A_21 : memref<64x512xf32, #tpu.memory_space<hbm>>) dst(%arg7 : memref<64x512xf32, #tpu.memory_space<vmem>>)
      tpu.yield
    }) : () -> ()
    %scan3A = arith.constant 0 : i32
    %scan3A_3 = arith.constant 0 : i32
    %scan3A_4 = arith.constant 32 : i32
    %scan3A_5 = arith.addi %scan3A_3, %scan3A_4 : i32
    %scan3A_6 = arith.constant 1 : i32
    scf.for %scan3A_8 = %scan3A_3 to %scan3A_5 step %scan3A_6  : i32 {
      %mul3A_9 = arith.constant 16 : i32
      %mul3A_10 = arith.muli %scan3A_8, %mul3A_9 : i32
      %get3A = arith.constant 0 : i32
      %get3A_11 = arith.index_cast %get3A : i32 to index
      %get3A_12 = arith.index_cast %mul3A_10 : i32 to index
      %get3A_13 = tpu.vector_load %arg7[%get3A_11, %get3A_12] {strides = array<i32>} : memref<64x512xf32, #tpu.memory_space<vmem>>, vector<1x16xf32>,
      %get3A_14 = vector.shape_cast %get3A_13 : vector<1x16xf32> to vector<16xf32>
      %get3A_15 = arith.constant 1 : i32
      %get3A_16 = arith.index_cast %get3A_15 : i32 to index
      %get3A_17 = arith.index_cast %mul3A_10 : i32 to index
      %get3A_18 = tpu.vector_load %arg7[%get3A_16, %get3A_17] {strides = array<i32>} : memref<64x512xf32, #tpu.memory_space<vmem>>, vector<1x16xf32>,
      %get3A_19 = vector.shape_cast %get3A_18 : vector<1x16xf32> to vector<16xf32>
      %gt3A = arith.cmpf ogt, %get3A_19, %get3A_14 : vector<16xf32>
      %select_n3A = arith.select %gt3A, %get3A_19, %get3A_14 : vector<16xi1>, vector<16xf32>
      %jit3A = arith.constant 1 : i32
      %jit3A_20 = arith.constant 0 : i32
      %broadcast_in_dim3A = vector.broadcast %jit3A : i32 to vector<16xi32>
      %broadcast_in_dim3A_21 = vector.broadcast %jit3A_20 : i32 to vector<16xi32>
      %select_n3A_22 = arith.select %gt3A, %broadcast_in_dim3A, %broadcast_in_dim3A_21 : vector<16xi1>, vector<16xi32>
      %select_n3A_23 = arith.select %gt3A, %get3A_14, %get3A_19 : vector<16xi1>, vector<16xf32>
      %jit3A_24 = arith.constant 0 : i32
      %jit3A_25 = arith.constant 1 : i32
      %broadcast_in_dim3A_26 = vector.broadcast %jit3A_24 : i32 to vector<16xi32>
      %broadcast_in_dim3A_27 = vector.broadcast %jit3A_25 : i32 to vector<16xi32>
      %select_n3A_28 = arith.select %gt3A, %broadcast_in_dim3A_26, %broadcast_in_dim3A_27 : vector<16xi1>, vector<16xi32>
      %get3A_29 = arith.constant 2 : i32
      %get3A_30 = arith.index_cast %get3A_29 : i32 to index
      %get3A_31 = arith.index_cast %mul3A_10 : i32 to index
      %get3A_32 = tpu.vector_load %arg7[%get3A_30, %get3A_31] {strides = array<i32>} : memref<64x512xf32, #tpu.memory_space<vmem>>, vector<1x16xf32>,
      %get3A_33 = vector.shape_cast %get3A_32 : vector<1x16xf32> to vector<16xf32>
      %get3A_34 = arith.constant 3 : i32
      %get3A_35 = arith.index_cast %get3A_34 : i32 to index
      %get3A_36 = arith.index_cast %mul3A_10 : i32 to index
      %get3A_37 = tpu.vector_load %arg7[%get3A_35, %get3A_36] {strides = array<i32>} : memref<64x512xf32, #tpu.memory_space<vmem>>, vector<1x16xf32>,
      %get3A_38 = vector.shape_cast %get3A_37 : vector<1x16xf32> to vector<16xf32>
      %gt3A_39 = arith.cmpf ogt, %get3A_38, %get3A_33 : vector<16xf32>
      %select_n3A_40 = arith.select %gt3A_39, %get3A_38, %get3A_33 : vector<16xi1>, vector<16xf32>
      %jit3A_41 = arith.constant 3 : i32
      %jit3A_42 = arith.constant 2 : i32
      %broadcast_in_dim3A_43 = vector.broadcast %jit3A_41 : i32 to vector<16xi32>
      %broadcast_in_dim3A_44 = vector.broadcast %jit3A_42 : i32 to vector<16xi32>
      %select_n3A_45 = arith.select %gt3A_39, %broadcast_in_dim3A_43, %broadcast_in_dim3A_44 : vector<16xi1>, vector<16xi32>
      %select_n3A_46 = arith.select %gt3A_39, %get3A_33, %get3A_38 : vector<16xi1>, vector<16xf32>
      %jit3A_47 = arith.constant 2 : i32
      %jit3A_48 = arith.constant 3 : i32
      %broadcast_in_dim3A_49 = vector.broadcast %jit3A_47 : i32 to vector<16xi32>
      %broadcast_in_dim3A_50 = vector.broadcast %jit3A_48 : i32 to vector<16xi32>
      %select_n3A_51 = arith.select %gt3A_39, %broadcast_in_dim3A_49, %broadcast_in_dim3A_50 : vector<16xi1>, vector<16xi32>
      %get3A_52 = arith.constant 4 : i32
      %get3A_53 = arith.index_cast %get3A_52 : i32 to index
      %get3A_54 = arith.index_cast %mul3A_10 : i32 to index
      %get3A_55 = tpu.vector_load %arg7[%get3A_53, %get3A_54] {strides = array<i32>} : memref<64x512xf32, #tpu.memory_space<vmem>>, vector<1x16xf32>,
      %get3A_56 = vector.shape_cast %get3A_55 : vector<1x16xf32> to vector<16xf32>
      %get3A_57 = arith.constant 5 : i32
      %get3A_58 = arith.index_cast %get3A_57 : i32 to index
      %get3A_59 = arith.index_cast %mul3A_10 : i32 to index
      %get3A_60 = tpu.vector_load %arg7[%get3A_58, %get3A_59] {strides = array<i32>} : memref<64x512xf32, #tpu.memory_space<vmem>>, vector<1x16xf32>,
      %get3A_61 = vector.shape_cast %get3A_60 : vector<1x16xf32> to vector<16xf32>
      %gt3A_62 = arith.cmpf ogt, %get3A_61, %get3A_56 : vector<16xf32>
      %select_n3A_63 = arith.select %gt3A_62, %get3A_61, %get3A_56 : vector<16xi1>, vector<16xf32>
      %jit3A_64 = arith.constant 5 : i32
      %jit3A_65 = arith.constant 4 : i32
      %broadcast_in_dim3A_66 = vector.broadcast %jit3A_64 : i32 to vector<16xi32>
      %broadcast_in_dim3A_67 = vector.broadcast %jit3A_65 : i32 to vector<16xi32>
      %select_n3A_68 = arith.select %gt3A_62, %broadcast_in_dim3A_66, %broadcast_in_dim3A_67 : vector<16xi1>, vector<16xi32>
      %select_n3A_69 = arith.select %gt3A_62, %get3A_56, %get3A_61 : vector<16xi1>, vector<16xf32>
      %jit3A_70 = arith.constant 4 : i32
      %jit3A_71 = arith.constant 5 : i32
      %broadcast_in_dim3A_72 = vector.broadcast %jit3A_70 : i32 to vector<16xi32>
      %broadcast_in_dim3A_73 = vector.broadcast %jit3A_71 : i32 to vector<16xi32>
      %select_n3A_74 = arith.select %gt3A_62, %broadcast_in_dim3A_72, %broadcast_in_dim3A_73 : vector<16xi1>, vector<16xi32>
      %get3A_75 = arith.constant 6 : i32
      %get3A_76 = arith.index_cast %get3A_75 : i32 to index
      %get3A_77 = arith.index_cast %mul3A_10 : i32 to index
      %get3A_78 = tpu.vector_load %arg7[%get3A_76, %get3A_77] {strides = array<i32>} : memref<64x512xf32, #tpu.memory_space<vmem>>, vector<1x16xf32>,
      %get3A_79 = vector.shape_cast %get3A_78 : vector<1x16xf32> to vector<16xf32>
      %get3A_80 = arith.constant 7 : i32
      %get3A_81 = arith.index_cast %get3A_80 : i32 to index
      %get3A_82 = arith.index_cast %mul3A_10 : i32 to index
      %get3A_83 = tpu.vector_load %arg7[%get3A_81, %get3A_82] {strides = array<i32>} : memref<64x512xf32, #tpu.memory_space<vmem>>, vector<1x16xf32>,
      %get3A_84 = vector.shape_cast %get3A_83 : vector<1x16xf32> to vector<16xf32>
      %gt3A_85 = arith.cmpf ogt, %get3A_84, %get3A_79 : vector<16xf32>
      %select_n3A_86 = arith.select %gt3A_85, %get3A_84, %get3A_79 : vector<16xi1>, vector<16xf32>
      %jit3A_87 = arith.constant 7 : i32
      %jit3A_88 = arith.constant 6 : i32
      %broadcast_in_dim3A_89 = vector.broadcast %jit3A_87 : i32 to vector<16xi32>
      %broadcast_in_dim3A_90 = vector.broadcast %jit3A_88 : i32 to vector<16xi32>
      %select_n3A_91 = arith.select %gt3A_85, %broadcast_in_dim3A_89, %broadcast_in_dim3A_90 : vector<16xi1>, vector<16xi32>
      %select_n3A_92 = arith.select %gt3A_85, %get3A_79, %get3A_84 : vector<16xi1>, vector<16xf32>
      %jit3A_93 = arith.constant 6 : i32
      %jit3A_94 = arith.constant 7 : i32
      %broadcast_in_dim3A_95 = vector.broadcast %jit3A_93 : i32 to vector<16xi32>
      %broadcast_in_dim3A_96 = vector.broadcast %jit3A_94 : i32 to vector<16xi32>
      %select_n3A_97 = arith.select %gt3A_85, %broadcast_in_dim3A_95, %broadcast_in_dim3A_96 : vector<16xi1>, vector<16xi32>
      %get3A_98 = arith.constant 8 : i32
      %get3A_99 = arith.index_cast %get3A_98 : i32 to index
      %get3A_100 = arith.index_cast %mul3A_10 : i32 to index
      %get3A_101 = tpu.vector_load %arg7[%get3A_99, %get3A_100] {strides = array<i32>} : memref<64x512xf32, #tpu.memory_space<vmem>>, vector<1x16xf32>,
      %get3A_102 = vector.shape_cast %get3A_101 : vector<1x16xf32> to vector<16xf32>
      %get3A_103 = arith.constant 9 : i32
      %get3A_104 = arith.index_cast %get3A_103 : i32 to index
      %get3A_105 = arith.index_cast %mul3A_10 : i32 to index
      %get3A_106 = tpu.vector_load %arg7[%get3A_104, %get3A_105] {strides = array<i32>} : memref<64x512xf32, #tpu.memory_space<vmem>>, vector<1x16xf32>,
      %get3A_107 = vector.shape_cast %get3A_106 : vector<1x16xf32> to vector<16xf32>
      %gt3A_108 = arith.cmpf ogt, %get3A_107, %get3A_102 : vector<16xf32>
      %select_n3A_109 = arith.select %gt3A_108, %get3A_107, %get3A_102 : vector<16xi1>, vector<16xf32>
      %jit3A_110 = arith.constant 9 : i32
      %jit3A_111 = arith.constant 8 : i32
      %broadcast_in_dim3A_112 = vector.broadcast %jit3A_110 : i32 to vector<16xi32>
      %broadcast_in_dim3A_113 = vector.broadcast %jit3A_111 : i32 to vector<16xi32>
      %select_n3A_114 = arith.select %gt3A_108, %broadcast_in_dim3A_112, %broadcast_in_dim3A_113 : vector<16xi1>, vector<16xi32>
      %select_n3A_115 = arith.select %gt3A_108, %get3A_102, %get3A_107 : vector<16xi1>, vector<16xf32>
      %jit3A_116 = arith.constant 8 : i32
      %jit3A_117 = arith.constant 9 : i32
      %broadcast_in_dim3A_118 = vector.broadcast %jit3A_116 : i32 to vector<16xi32>
      %broadcast_in_dim3A_119 = vector.broadcast %jit3A_117 : i32 to vector<16xi32>
      %select_n3A_120 = arith.select %gt3A_108, %broadcast_in_dim3A_118, %broadcast_in_dim3A_119 : vector<16xi1>, vector<16xi32>
      %get3A_121 = arith.constant 10 : i32
      %get3A_122 = arith.index_cast %get3A_121 : i32 to index
      %get3A_123 = arith.index_cast %mul3A_10 : i32 to index
      %get3A_124 = tpu.vector_load %arg7[%get3A_122, %get3A_123] {strides = array<i32>} : memref<64x512xf32, #tpu.memory_space<vmem>>, vector<1x16xf32>,
      %get3A_125 = vector.shape_cast %get3A_124 : vector<1x16xf32> to vector<16xf32>
      %get3A_126 = arith.constant 11 : i32
      %get3A_127 = arith.index_cast %get3A_126 : i32 to index
      %get3A_128 = arith.index_cast %mul3A_10 : i32 to index
      %get3A_129 = tpu.vector_load %arg7[%get3A_127, %get3A_128] {strides = array<i32>} : memref<64x512xf32, #tpu.memory_space<vmem>>, vector<1x16xf32>,
      %get3A_130 = vector.shape_cast %get3A_129 : vector<1x16xf32> to vector<16xf32>
      %gt3A_131 = arith.cmpf ogt, %get3A_130, %get3A_125 : vector<16xf32>
      %select_n3A_132 = arith.select %gt3A_131, %get3A_130, %get3A_125 : vector<16xi1>, vector<16xf32>
      %jit3A_133 = arith.constant 11 : i32
      %jit3A_134 = arith.constant 10 : i32
      %broadcast_in_dim3A_135 = vector.broadcast %jit3A_133 : i32 to vector<16xi32>
      %broadcast_in_dim3A_136 = vector.broadcast %jit3A_134 : i32 to vector<16xi32>
      %select_n3A_137 = arith.select %gt3A_131, %broadcast_in_dim3A_135, %broadcast_in_dim3A_136 : vector<16xi1>, vector<16xi32>
      %select_n3A_138 = arith.select %gt3A_131, %get3A_125, %get3A_130 : vector<16xi1>, vector<16xf32>
      %jit3A_139 = arith.constant 10 : i32
      %jit3A_140 = arith.constant 11 : i32
      %broadcast_in_dim3A_141 = vector.broadcast %jit3A_139 : i32 to vector<16xi32>
      %broadcast_in_dim3A_142 = vector.broadcast %jit3A_140 : i32 to vector<16xi32>
      %select_n3A_143 = arith.select %gt3A_131, %broadcast_in_dim3A_141, %broadcast_in_dim3A_142 : vector<16xi1>, vector<16xi32>
      %get3A_144 = arith.constant 12 : i32
      %get3A_145 = arith.index_cast %get3A_144 : i32 to index
      %get3A_146 = arith.index_cast %mul3A_10 : i32 to index
      %get3A_147 = tpu.vector_load %arg7[%get3A_145, %get3A_146] {strides = array<i32>} : memref<64x512xf32, #tpu.memory_space<vmem>>, vector<1x16xf32>,
      %get3A_148 = vector.shape_cast %get3A_147 : vector<1x16xf32> to vector<16xf32>
      %get3A_149 = arith.constant 13 : i32
      %get3A_150 = arith.index_cast %get3A_149 : i32 to index
      %get3A_151 = arith.index_cast %mul3A_10 : i32 to index
      %get3A_152 = tpu.vector_load %arg7[%get3A_150, %get3A_151] {strides = array<i32>} : memref<64x512xf32, #tpu.memory_space<vmem>>, vector<1x16xf32>,
      %get3A_153 = vector.shape_cast %get3A_152 : vector<1x16xf32> to vector<16xf32>
      %gt3A_154 = arith.cmpf ogt, %get3A_153, %get3A_148 : vector<16xf32>
      %select_n3A_155 = arith.select %gt3A_154, %get3A_153, %get3A_148 : vector<16xi1>, vector<16xf32>
      %jit3A_156 = arith.constant 13 : i32
      %jit3A_157 = arith.constant 12 : i32
      %broadcast_in_dim3A_158 = vector.broadcast %jit3A_156 : i32 to vector<16xi32>
      %broadcast_in_dim3A_159 = vector.broadcast %jit3A_157 : i32 to vector<16xi32>
      %select_n3A_160 = arith.select %gt3A_154, %broadcast_in_dim3A_158, %broadcast_in_dim3A_159 : vector<16xi1>, vector<16xi32>
      %select_n3A_161 = arith.select %gt3A_154, %get3A_148, %get3A_153 : vector<16xi1>, vector<16xf32>
      %jit3A_162 = arith.constant 12 : i32
      %jit3A_163 = arith.constant 13 : i32
      %broadcast_in_dim3A_164 = vector.broadcast %jit3A_162 : i32 to vector<16xi32>
      %broadcast_in_dim3A_165 = vector.broadcast %jit3A_163 : i32 to vector<16xi32>
      %select_n3A_166 = arith.select %gt3A_154, %broadcast_in_dim3A_164, %broadcast_in_dim3A_165 : vector<16xi1>, vector<16xi32>
      %get3A_167 = arith.constant 14 : i32
      %get3A_168 = arith.index_cast %get3A_167 : i32 to index
      %get3A_169 = arith.index_cast %mul3A_10 : i32 to index
      %get3A_170 = tpu.vector_load %arg7[%get3A_168, %get3A_169] {strides = array<i32>} : memref<64x512xf32, #tpu.memory_space<vmem>>, vector<1x16xf32>,
      %get3A_171 = vector.shape_cast %get3A_170 : vector<1x16xf32> to vector<16xf32>
      %get3A_172 = arith.constant 15 : i32
      %get3A_173 = arith.index_cast %get3A_172 : i32 to index
      %get3A_174 = arith.index_cast %mul3A_10 : i32 to index
      %get3A_175 = tpu.vector_load %arg7[%get3A_173, %get3A_174] {strides = array<i32>} : memref<64x512xf32, #tpu.memory_space<vmem>>, vector<1x16xf32>,
      %get3A_176 = vector.shape_cast %get3A_175 : vector<1x16xf32> to vector<16xf32>
      %gt3A_177 = arith.cmpf ogt, %get3A_176, %get3A_171 : vector<16xf32>
      %select_n3A_178 = arith.select %gt3A_177, %get3A_176, %get3A_171 : vector<16xi1>, vector<16xf32>
      %jit3A_179 = arith.constant 15 : i32
      %jit3A_180 = arith.constant 14 : i32
      %broadcast_in_dim3A_181 = vector.broadcast %jit3A_179 : i32 to vector<16xi32>
      %broadcast_in_dim3A_182 = vector.broadcast %jit3A_180 : i32 to vector<16xi32>
      %select_n3A_183 = arith.select %gt3A_177, %broadcast_in_dim3A_181, %broadcast_in_dim3A_182 : vector<16xi1>, vector<16xi32>
      %select_n3A_184 = arith.select %gt3A_177, %get3A_171, %get3A_176 : vector<16xi1>, vector<16xf32>
      %jit3A_185 = arith.constant 14 : i32
      %jit3A_186 = arith.constant 15 : i32
      %broadcast_in_dim3A_187 = vector.broadcast %jit3A_185 : i32 to vector<16xi32>
      %broadcast_in_dim3A_188 = vector.broadcast %jit3A_186 : i32 to vector<16xi32>
      %select_n3A_189 = arith.select %gt3A_177, %broadcast_in_dim3A_187, %broadcast_in_dim3A_188 : vector<16xi1>, vector<16xi32>
      %get3A_190 = arith.constant 16 : i32
      %get3A_191 = arith.index_cast %get3A_190 : i32 to index
      %get3A_192 = arith.index_cast %mul3A_10 : i32 to index
      %get3A_193 = tpu.vector_load %arg7[%get3A_191, %get3A_192] {strides = array<i32>} : memref<64x512xf32, #tpu.memory_space<vmem>>, vector<1x16xf32>,
      %get3A_194 = vector.shape_cast %get3A_193 : vector<1x16xf32> to vector<16xf32>
      %get3A_195 = arith.constant 17 : i32
      %get3A_196 = arith.index_cast %get3A_195 : i32 to index
      %get3A_197 = arith.index_cast %mul3A_10 : i32 to index
      %get3A_198 = tpu.vector_load %arg7[%get3A_196, %get3A_197] {strides = array<i32>} : memref<64x512xf32, #tpu.memory_space<vmem>>, vector<1x16xf32>,
      %get3A_199 = vector.shape_cast %get3A_198 : vector<1x16xf32> to vector<16xf32>
      %gt3A_200 = arith.cmpf ogt, %get3A_199, %get3A_194 : vector<16xf32>
      %select_n3A_201 = arith.select %gt3A_200, %get3A_199, %get3A_194 : vector<16xi1>, vector<16xf32>
      %jit3A_202 = arith.constant 17 : i32
      %jit3A_203 = arith.constant 16 : i32
      %broadcast_in_dim3A_204 = vector.broadcast %jit3A_202 : i32 to vector<16xi32>
      %broadcast_in_dim3A_205 = vector.broadcast %jit3A_203 : i32 to vector<16xi32>
      %select_n3A_206 = arith.select %gt3A_200, %broadcast_in_dim3A_204, %broadcast_in_dim3A_205 : vector<16xi1>, vector<16xi32>
      %select_n3A_207 = arith.select %gt3A_200, %get3A_194, %get3A_199 : vector<16xi1>, vector<16xf32>
      %jit3A_208 = arith.constant 16 : i32
      %jit3A_209 = arith.constant 17 : i32
      %broadcast_in_dim3A_210 = vector.broadcast %jit3A_208 : i32 to vector<16xi32>
      %broadcast_in_dim3A_211 = vector.broadcast %jit3A_209 : i32 to vector<16xi32>
      %select_n3A_212 = arith.select %gt3A_200, %broadcast_in_dim3A_210, %broadcast_in_dim3A_211 : vector<16xi1>, vector<16xi32>
      %get3A_213 = arith.constant 18 : i32
      %get3A_214 = arith.index_cast %get3A_213 : i32 to index
      %get3A_215 = arith.index_cast %mul3A_10 : i32 to index
      %get3A_216 = tpu.vector_load %arg7[%get3A_214, %get3A_215] {strides = array<i32>} : memref<64x512xf32, #tpu.memory_space<vmem>>, vector<1x16xf32>,
      %get3A_217 = vector.shape_cast %get3A_216 : vector<1x16xf32> to vector<16xf32>
      %get3A_218 = arith.constant 19 : i32
      %get3A_219 = arith.index_cast %get3A_218 : i32 to index
      %get3A_220 = arith.index_cast %mul3A_10 : i32 to index
      %get3A_221 = tpu.vector_load %arg7[%get3A_219, %get3A_220] {strides = array<i32>} : memref<64x512xf32, #tpu.memory_space<vmem>>, vector<1x16xf32>,
      %get3A_222 = vector.shape_cast %get3A_221 : vector<1x16xf32> to vector<16xf32>
      %gt3A_223 = arith.cmpf ogt, %get3A_222, %get3A_217 : vector<16xf32>
      %select_n3A_224 = arith.select %gt3A_223, %get3A_222, %get3A_217 : vector<16xi1>, vector<16xf32>
      %jit3A_225 = arith.constant 19 : i32
      %jit3A_226 = arith.constant 18 : i32
      %broadcast_in_dim3A_227 = vector.broadcast %jit3A_225 : i32 to vector<16xi32>
      %broadcast_in_dim3A_228 = vector.broadcast %jit3A_226 : i32 to vector<16xi32>
      %select_n3A_229 = arith.select %gt3A_223, %broadcast_in_dim3A_227, %broadcast_in_dim3A_228 : vector<16xi1>, vector<16xi32>
      %select_n3A_230 = arith.select %gt3A_223, %get3A_217, %get3A_222 : vector<16xi1>, vector<16xf32>
      %jit3A_231 = arith.constant 18 : i32
      %jit3A_232 = arith.constant 19 : i32
      %broadcast_in_dim3A_233 = vector.broadcast %jit3A_231 : i32 to vector<16xi32>
      %broadcast_in_dim3A_234 = vector.broadcast %jit3A_232 : i32 to vector<16xi32>
      %select_n3A_235 = arith.select %gt3A_223, %broadcast_in_dim3A_233, %broadcast_in_dim3A_234 : vector<16xi1>, vector<16xi32>
      %get3A_236 = arith.constant 20 : i32
      %get3A_237 = arith.index_cast %get3A_236 : i32 to index
      %get3A_238 = arith.index_cast %mul3A_10 : i32 to index
      %get3A_239 = tpu.vector_load %arg7[%get3A_237, %get3A_238] {strides = array<i32>} : memref<64x512xf32, #tpu.memory_space<vmem>>, vector<1x16xf32>,
      %get3A_240 = vector.shape_cast %get3A_239 : vector<1x16xf32> to vector<16xf32>
      %get3A_241 = arith.constant 21 : i32
      %get3A_242 = arith.index_cast %get3A_241 : i32 to index
      %get3A_243 = arith.index_cast %mul3A_10 : i32 to index
      %get3A_244 = tpu.vector_load %arg7[%get3A_242, %get3A_243] {strides = array<i32>} : memref<64x512xf32, #tpu.memory_space<vmem>>, vector<1x16xf32>,
      %get3A_245 = vector.shape_cast %get3A_244 : vector<1x16xf32> to vector<16xf32>
      %gt3A_246 = arith.cmpf ogt, %get3A_245, %get3A_240 : vector<16xf32>
      %select_n3A_247 = arith.select %gt3A_246, %get3A_245, %get3A_240 : vector<16xi1>, vector<16xf32>
      %jit3A_248 = arith.constant 21 : i32
      %jit3A_249 = arith.constant 20 : i32
      %broadcast_in_dim3A_250 = vector.broadcast %jit3A_248 : i32 to vector<16xi32>
      %broadcast_in_dim3A_251 = vector.broadcast %jit3A_249 : i32 to vector<16xi32>
      %select_n3A_252 = arith.select %gt3A_246, %broadcast_in_dim3A_250, %broadcast_in_dim3A_251 : vector<16xi1>, vector<16xi32>
      %select_n3A_253 = arith.select %gt3A_246, %get3A_240, %get3A_245 : vector<16xi1>, vector<16xf32>
      %jit3A_254 = arith.constant 20 : i32
      %jit3A_255 = arith.constant 21 : i32
      %broadcast_in_dim3A_256 = vector.broadcast %jit3A_254 : i32 to vector<16xi32>
      %broadcast_in_dim3A_257 = vector.broadcast %jit3A_255 : i32 to vector<16xi32>
      %select_n3A_258 = arith.select %gt3A_246, %broadcast_in_dim3A_256, %broadcast_in_dim3A_257 : vector<16xi1>, vector<16xi32>
      %get3A_259 = arith.constant 22 : i32
      %get3A_260 = arith.index_cast %get3A_259 : i32 to index
      %get3A_261 = arith.index_cast %mul3A_10 : i32 to index
      %get3A_262 = tpu.vector_load %arg7[%get3A_260, %get3A_261] {strides = array<i32>} : memref<64x512xf32, #tpu.memory_space<vmem>>, vector<1x16xf32>,
      %get3A_263 = vector.shape_cast %get3A_262 : vector<1x16xf32> to vector<16xf32>
      %get3A_264 = arith.constant 23 : i32
      %get3A_265 = arith.index_cast %get3A_264 : i32 to index
      %get3A_266 = arith.index_cast %mul3A_10 : i32 to index
      %get3A_267 = tpu.vector_load %arg7[%get3A_265, %get3A_266] {strides = array<i32>} : memref<64x512xf32, #tpu.memory_space<vmem>>, vector<1x16xf32>,
      %get3A_268 = vector.shape_cast %get3A_267 : vector<1x16xf32> to vector<16xf32>
      %gt3A_269 = arith.cmpf ogt, %get3A_268, %get3A_263 : vector<16xf32>
      %select_n3A_270 = arith.select %gt3A_269, %get3A_268, %get3A_263 : vector<16xi1>, vector<16xf32>
      %jit3A_271 = arith.constant 23 : i32
      %jit3A_272 = arith.constant 22 : i32
      %broadcast_in_dim3A_273 = vector.broadcast %jit3A_271 : i32 to vector<16xi32>
      %broadcast_in_dim3A_274 = vector.broadcast %jit3A_272 : i32 to vector<16xi32>
      %select_n3A_275 = arith.select %gt3A_269, %broadcast_in_dim3A_273, %broadcast_in_dim3A_274 : vector<16xi1>, vector<16xi32>
      %select_n3A_276 = arith.select %gt3A_269, %get3A_263, %get3A_268 : vector<16xi1>, vector<16xf32>
      %jit3A_277 = arith.constant 22 : i32
      %jit3A_278 = arith.constant 23 : i32
      %broadcast_in_dim3A_279 = vector.broadcast %jit3A_277 : i32 to vector<16xi32>
      %broadcast_in_dim3A_280 = vector.broadcast %jit3A_278 : i32 to vector<16xi32>
      %select_n3A_281 = arith.select %gt3A_269, %broadcast_in_dim3A_279, %broadcast_in_dim3A_280 : vector<16xi1>, vector<16xi32>
      %get3A_282 = arith.constant 24 : i32
      %get3A_283 = arith.index_cast %get3A_282 : i32 to index
      %get3A_284 = arith.index_cast %mul3A_10 : i32 to index
      %get3A_285 = tpu.vector_load %arg7[%get3A_283, %get3A_284] {strides = array<i32>} : memref<64x512xf32, #tpu.memory_space<vmem>>, vector<1x16xf32>,
      %get3A_286 = vector.shape_cast %get3A_285 : vector<1x16xf32> to vector<16xf32>
      %get3A_287 = arith.constant 25 : i32
      %get3A_288 = arith.index_cast %get3A_287 : i32 to index
      %get3A_289 = arith.index_cast %mul3A_10 : i32 to index
      %get3A_290 = tpu.vector_load %arg7[%get3A_288, %get3A_289] {strides = array<i32>} : memref<64x512xf32, #tpu.memory_space<vmem>>, vector<1x16xf32>,
      %get3A_291 = vector.shape_cast %get3A_290 : vector<1x16xf32> to vector<16xf32>
      %gt3A_292 = arith.cmpf ogt, %get3A_291, %get3A_286 : vector<16xf32>
      %select_n3A_293 = arith.select %gt3A_292, %get3A_291, %get3A_286 : vector<16xi1>, vector<16xf32>
      %jit3A_294 = arith.constant 25 : i32
      %jit3A_295 = arith.constant 24 : i32
      %broadcast_in_dim3A_296 = vector.broadcast %jit3A_294 : i32 to vector<16xi32>
      %broadcast_in_dim3A_297 = vector.broadcast %jit3A_295 : i32 to vector<16xi32>
      %select_n3A_298 = arith.select %gt3A_292, %broadcast_in_dim3A_296, %broadcast_in_dim3A_297 : vector<16xi1>, vector<16xi32>
      %select_n3A_299 = arith.select %gt3A_292, %get3A_286, %get3A_291 : vector<16xi1>, vector<16xf32>
      %jit3A_300 = arith.constant 24 : i32
      %jit3A_301 = arith.constant 25 : i32
      %broadcast_in_dim3A_302 = vector.broadcast %jit3A_300 : i32 to vector<16xi32>
      %broadcast_in_dim3A_303 = vector.broadcast %jit3A_301 : i32 to vector<16xi32>
      %select_n3A_304 = arith.select %gt3A_292, %broadcast_in_dim3A_302, %broadcast_in_dim3A_303 : vector<16xi1>, vector<16xi32>
      %get3A_305 = arith.constant 26 : i32
      %get3A_306 = arith.index_cast %get3A_305 : i32 to index
      %get3A_307 = arith.index_cast %mul3A_10 : i32 to index
      %get3A_308 = tpu.vector_load %arg7[%get3A_306, %get3A_307] {strides = array<i32>} : memref<64x512xf32, #tpu.memory_space<vmem>>, vector<1x16xf32>,
      %get3A_309 = vector.shape_cast %get3A_308 : vector<1x16xf32> to vector<16xf32>
      %get3A_310 = arith.constant 27 : i32
      %get3A_311 = arith.index_cast %get3A_310 : i32 to index
      %get3A_312 = arith.index_cast %mul3A_10 : i32 to index
      %get3A_313 = tpu.vector_load %arg7[%get3A_311, %get3A_312] {strides = array<i32>} : memref<64x512xf32, #tpu.memory_space<vmem>>, vector<1x16xf32>,
      %get3A_314 = vector.shape_cast %get3A_313 : vector<1x16xf32> to vector<16xf32>
      %gt3A_315 = arith.cmpf ogt, %get3A_314, %get3A_309 : vector<16xf32>
      %select_n3A_316 = arith.select %gt3A_315, %get3A_314, %get3A_309 : vector<16xi1>, vector<16xf32>
      %jit3A_317 = arith.constant 27 : i32
      %jit3A_318 = arith.constant 26 : i32
      %broadcast_in_dim3A_319 = vector.broadcast %jit3A_317 : i32 to vector<16xi32>
      %broadcast_in_dim3A_320 = vector.broadcast %jit3A_318 : i32 to vector<16xi32>
      %select_n3A_321 = arith.select %gt3A_315, %broadcast_in_dim3A_319, %broadcast_in_dim3A_320 : vector<16xi1>, vector<16xi32>
      %select_n3A_322 = arith.select %gt3A_315, %get3A_309, %get3A_314 : vector<16xi1>, vector<16xf32>
      %jit3A_323 = arith.constant 26 : i32
      %jit3A_324 = arith.constant 27 : i32
      %broadcast_in_dim3A_325 = vector.broadcast %jit3A_323 : i32 to vector<16xi32>
      %broadcast_in_dim3A_326 = vector.broadcast %jit3A_324 : i32 to vector<16xi32>
      %select_n3A_327 = arith.select %gt3A_315, %broadcast_in_dim3A_325, %broadcast_in_dim3A_326 : vector<16xi1>, vector<16xi32>
      %get3A_328 = arith.constant 28 : i32
      %get3A_329 = arith.index_cast %get3A_328 : i32 to index
      %get3A_330 = arith.index_cast %mul3A_10 : i32 to index
      %get3A_331 = tpu.vector_load %arg7[%get3A_329, %get3A_330] {strides = array<i32>} : memref<64x512xf32, #tpu.memory_space<vmem>>, vector<1x16xf32>,
      %get3A_332 = vector.shape_cast %get3A_331 : vector<1x16xf32> to vector<16xf32>
      %get3A_333 = arith.constant 29 : i32
      %get3A_334 = arith.index_cast %get3A_333 : i32 to index
      %get3A_335 = arith.index_cast %mul3A_10 : i32 to index
      %get3A_336 = tpu.vector_load %arg7[%get3A_334, %get3A_335] {strides = array<i32>} : memref<64x512xf32, #tpu.memory_space<vmem>>, vector<1x16xf32>,
      %get3A_337 = vector.shape_cast %get3A_336 : vector<1x16xf32> to vector<16xf32>
      %gt3A_338 = arith.cmpf ogt, %get3A_337, %get3A_332 : vector<16xf32>
      %select_n3A_339 = arith.select %gt3A_338, %get3A_337, %get3A_332 : vector<16xi1>, vector<16xf32>
      %jit3A_340 = arith.constant 29 : i32
      %jit3A_341 = arith.constant 28 : i32
      %broadcast_in_dim3A_342 = vector.broadcast %jit3A_340 : i32 to vector<16xi32>
      %broadcast_in_dim3A_343 = vector.broadcast %jit3A_341 : i32 to vector<16xi32>
      %select_n3A_344 = arith.select %gt3A_338, %broadcast_in_dim3A_342, %broadcast_in_dim3A_343 : vector<16xi1>, vector<16xi32>
      %select_n3A_345 = arith.select %gt3A_338, %get3A_332, %get3A_337 : vector<16xi1>, vector<16xf32>
      %jit3A_346 = arith.constant 28 : i32
      %jit3A_347 = arith.constant 29 : i32
      %broadcast_in_dim3A_348 = vector.broadcast %jit3A_346 : i32 to vector<16xi32>
      %broadcast_in_dim3A_349 = vector.broadcast %jit3A_347 : i32 to vector<16xi32>
      %select_n3A_350 = arith.select %gt3A_338, %broadcast_in_dim3A_348, %broadcast_in_dim3A_349 : vector<16xi1>, vector<16xi32>
      %get3A_351 = arith.constant 30 : i32
      %get3A_352 = arith.index_cast %get3A_351 : i32 to index
      %get3A_353 = arith.index_cast %mul3A_10 : i32 to index
      %get3A_354 = tpu.vector_load %arg7[%get3A_352, %get3A_353] {strides = array<i32>} : memref<64x512xf32, #tpu.memory_space<vmem>>, vector<1x16xf32>,
      %get3A_355 = vector.shape_cast %get3A_354 : vector<1x16xf32> to vector<16xf32>
      %get3A_356 = arith.constant 31 : i32
      %get3A_357 = arith.index_cast %get3A_356 : i32 to index
      %get3A_358 = arith.index_cast %mul3A_10 : i32 to index
      %get3A_359 = tpu.vector_load %arg7[%get3A_357, %get3A_358] {strides = array<i32>} : memref<64x512xf32, #tpu.memory_space<vmem>>, vector<1x16xf32>,
      %get3A_360 = vector.shape_cast %get3A_359 : vector<1x16xf32> to vector<16xf32>
      %gt3A_361 = arith.cmpf ogt, %get3A_360, %get3A_355 : vector<16xf32>
      %select_n3A_362 = arith.select %gt3A_361, %get3A_360, %get3A_355 : vector<16xi1>, vector<16xf32>
      %jit3A_363 = arith.constant 31 : i32
      %jit3A_364 = arith.constant 30 : i32
      %broadcast_in_dim3A_365 = vector.broadcast %jit3A_363 : i32 to vector<16xi32>
      %broadcast_in_dim3A_366 = vector.broadcast %jit3A_364 : i32 to vector<16xi32>
      %select_n3A_367 = arith.select %gt3A_361, %broadcast_in_dim3A_365, %broadcast_in_dim3A_366 : vector<16xi1>, vector<16xi32>
      %select_n3A_368 = arith.select %gt3A_361, %get3A_355, %get3A_360 : vector<16xi1>, vector<16xf32>
      %jit3A_369 = arith.constant 30 : i32
      %jit3A_370 = arith.constant 31 : i32
      %broadcast_in_dim3A_371 = vector.broadcast %jit3A_369 : i32 to vector<16xi32>
      %broadcast_in_dim3A_372 = vector.broadcast %jit3A_370 : i32 to vector<16xi32>
      %select_n3A_373 = arith.select %gt3A_361, %broadcast_in_dim3A_371, %broadcast_in_dim3A_372 : vector<16xi1>, vector<16xi32>
      %get3A_374 = arith.constant 32 : i32
      %get3A_375 = arith.index_cast %get3A_374 : i32 to index
      %get3A_376 = arith.index_cast %mul3A_10 : i32 to index
      %get3A_377 = tpu.vector_load %arg7[%get3A_375, %get3A_376] {strides = array<i32>} : memref<64x512xf32, #tpu.memory_space<vmem>>, vector<1x16xf32>,
      %get3A_378 = vector.shape_cast %get3A_377 : vector<1x16xf32> to vector<16xf32>
      %get3A_379 = arith.constant 33 : i32
      %get3A_380 = arith.index_cast %get3A_379 : i32 to index
      %get3A_381 = arith.index_cast %mul3A_10 : i32 to index
      %get3A_382 = tpu.vector_load %arg7[%get3A_380, %get3A_381] {strides = array<i32>} : memref<64x512xf32, #tpu.memory_space<vmem>>, vector<1x16xf32>,
      %get3A_383 = vector.shape_cast %get3A_382 : vector<1x16xf32> to vector<16xf32>
      %gt3A_384 = arith.cmpf ogt, %get3A_383, %get3A_378 : vector<16xf32>
      %select_n3A_385 = arith.select %gt3A_384, %get3A_383, %get3A_378 : vector<16xi1>, vector<16xf32>
      %jit3A_386 = arith.constant 33 : i32
      %jit3A_387 = arith.constant 32 : i32
      %broadcast_in_dim3A_388 = vector.broadcast %jit3A_386 : i32 to vector<16xi32>
      %broadcast_in_dim3A_389 = vector.broadcast %jit3A_387 : i32 to vector<16xi32>
      %select_n3A_390 = arith.select %gt3A_384, %broadcast_in_dim3A_388, %broadcast_in_dim3A_389 : vector<16xi1>, vector<16xi32>
      %select_n3A_391 = arith.select %gt3A_384, %get3A_378, %get3A_383 : vector<16xi1>, vector<16xf32>
      %jit3A_392 = arith.constant 32 : i32
      %jit3A_393 = arith.constant 33 : i32
      %broadcast_in_dim3A_394 = vector.broadcast %jit3A_392 : i32 to vector<16xi32>
      %broadcast_in_dim3A_395 = vector.broadcast %jit3A_393 : i32 to vector<16xi32>
      %select_n3A_396 = arith.select %gt3A_384, %broadcast_in_dim3A_394, %broadcast_in_dim3A_395 : vector<16xi1>, vector<16xi32>
      %get3A_397 = arith.constant 34 : i32
      %get3A_398 = arith.index_cast %get3A_397 : i32 to index
      %get3A_399 = arith.index_cast %mul3A_10 : i32 to index
      %get3A_400 = tpu.vector_load %arg7[%get3A_398, %get3A_399] {strides = array<i32>} : memref<64x512xf32, #tpu.memory_space<vmem>>, vector<1x16xf32>,
      %get3A_401 = vector.shape_cast %get3A_400 : vector<1x16xf32> to vector<16xf32>
      %get3A_402 = arith.constant 35 : i32
      %get3A_403 = arith.index_cast %get3A_402 : i32 to index
      %get3A_404 = arith.index_cast %mul3A_10 : i32 to index
      %get3A_405 = tpu.vector_load %arg7[%get3A_403, %get3A_404] {strides = array<i32>} : memref<64x512xf32, #tpu.memory_space<vmem>>, vector<1x16xf32>,
      %get3A_406 = vector.shape_cast %get3A_405 : vector<1x16xf32> to vector<16xf32>
      %gt3A_407 = arith.cmpf ogt, %get3A_406, %get3A_401 : vector<16xf32>
      %select_n3A_408 = arith.select %gt3A_407, %get3A_406, %get3A_401 : vector<16xi1>, vector<16xf32>
      %jit3A_409 = arith.constant 35 : i32
      %jit3A_410 = arith.constant 34 : i32
      %broadcast_in_dim3A_411 = vector.broadcast %jit3A_409 : i32 to vector<16xi32>
      %broadcast_in_dim3A_412 = vector.broadcast %jit3A_410 : i32 to vector<16xi32>
      %select_n3A_413 = arith.select %gt3A_407, %broadcast_in_dim3A_411, %broadcast_in_dim3A_412 : vector<16xi1>, vector<16xi32>
      %select_n3A_414 = arith.select %gt3A_407, %get3A_401, %get3A_406 : vector<16xi1>, vector<16xf32>
      %jit3A_415 = arith.constant 34 : i32
      %jit3A_416 = arith.constant 35 : i32
      %broadcast_in_dim3A_417 = vector.broadcast %jit3A_415 : i32 to vector<16xi32>
      %broadcast_in_dim3A_418 = vector.broadcast %jit3A_416 : i32 to vector<16xi32>
      %select_n3A_419 = arith.select %gt3A_407, %broadcast_in_dim3A_417, %broadcast_in_dim3A_418 : vector<16xi1>, vector<16xi32>
      %get3A_420 = arith.constant 36 : i32
      %get3A_421 = arith.index_cast %get3A_420 : i32 to index
      %get3A_422 = arith.index_cast %mul3A_10 : i32 to index
      %get3A_423 = tpu.vector_load %arg7[%get3A_421, %get3A_422] {strides = array<i32>} : memref<64x512xf32, #tpu.memory_space<vmem>>, vector<1x16xf32>,
      %get3A_424 = vector.shape_cast %get3A_423 : vector<1x16xf32> to vector<16xf32>
      %get3A_425 = arith.constant 37 : i32
      %get3A_426 = arith.index_cast %get3A_425 : i32 to index
      %get3A_427 = arith.index_cast %mul3A_10 : i32 to index
      %get3A_428 = tpu.vector_load %arg7[%get3A_426, %get3A_427] {strides = array<i32>} : memref<64x512xf32, #tpu.memory_space<vmem>>, vector<1x16xf32>,
      %get3A_429 = vector.shape_cast %get3A_428 : vector<1x16xf32> to vector<16xf32>
      %gt3A_430 = arith.cmpf ogt, %get3A_429, %get3A_424 : vector<16xf32>
      %select_n3A_431 = arith.select %gt3A_430, %get3A_429, %get3A_424 : vector<16xi1>, vector<16xf32>
      %jit3A_432 = arith.constant 37 : i32
      %jit3A_433 = arith.constant 36 : i32
      %broadcast_in_dim3A_434 = vector.broadcast %jit3A_432 : i32 to vector<16xi32>
      %broadcast_in_dim3A_435 = vector.broadcast %jit3A_433 : i32 to vector<16xi32>
      %select_n3A_436 = arith.select %gt3A_430, %broadcast_in_dim3A_434, %broadcast_in_dim3A_435 : vector<16xi1>, vector<16xi32>
      %select_n3A_437 = arith.select %gt3A_430, %get3A_424, %get3A_429 : vector<16xi1>, vector<16xf32>
      %jit3A_438 = arith.constant 36 : i32
      %jit3A_439 = arith.constant 37 : i32
      %broadcast_in_dim3A_440 = vector.broadcast %jit3A_438 : i32 to vector<16xi32>
      %broadcast_in_dim3A_441 = vector.broadcast %jit3A_439 : i32 to vector<16xi32>
      %select_n3A_442 = arith.select %gt3A_430, %broadcast_in_dim3A_440, %broadcast_in_dim3A_441 : vector<16xi1>, vector<16xi32>
      %get3A_443 = arith.constant 38 : i32
      %get3A_444 = arith.index_cast %get3A_443 : i32 to index
      %get3A_445 = arith.index_cast %mul3A_10 : i32 to index
      %get3A_446 = tpu.vector_load %arg7[%get3A_444, %get3A_445] {strides = array<i32>} : memref<64x512xf32, #tpu.memory_space<vmem>>, vector<1x16xf32>,
      %get3A_447 = vector.shape_cast %get3A_446 : vector<1x16xf32> to vector<16xf32>
      %get3A_448 = arith.constant 39 : i32
      %get3A_449 = arith.index_cast %get3A_448 : i32 to index
      %get3A_450 = arith.index_cast %mul3A_10 : i32 to index
      %get3A_451 = tpu.vector_load %arg7[%get3A_449, %get3A_450] {strides = array<i32>} : memref<64x512xf32, #tpu.memory_space<vmem>>, vector<1x16xf32>,
      %get3A_452 = vector.shape_cast %get3A_451 : vector<1x16xf32> to vector<16xf32>
      %gt3A_453 = arith.cmpf ogt, %get3A_452, %get3A_447 : vector<16xf32>
      %select_n3A_454 = arith.select %gt3A_453, %get3A_452, %get3A_447 : vector<16xi1>, vector<16xf32>
      %jit3A_455 = arith.constant 39 : i32
      %jit3A_456 = arith.constant 38 : i32
      %broadcast_in_dim3A_457 = vector.broadcast %jit3A_455 : i32 to vector<16xi32>
      %broadcast_in_dim3A_458 = vector.broadcast %jit3A_456 : i32 to vector<16xi32>
      %select_n3A_459 = arith.select %gt3A_453, %broadcast_in_dim3A_457, %broadcast_in_dim3A_458 : vector<16xi1>, vector<16xi32>
      %select_n3A_460 = arith.select %gt3A_453, %get3A_447, %get3A_452 : vector<16xi1>, vector<16xf32>
      %jit3A_461 = arith.constant 38 : i32
      %jit3A_462 = arith.constant 39 : i32
      %broadcast_in_dim3A_463 = vector.broadcast %jit3A_461 : i32 to vector<16xi32>
      %broadcast_in_dim3A_464 = vector.broadcast %jit3A_462 : i32 to vector<16xi32>
      %select_n3A_465 = arith.select %gt3A_453, %broadcast_in_dim3A_463, %broadcast_in_dim3A_464 : vector<16xi1>, vector<16xi32>
      %get3A_466 = arith.constant 40 : i32
      %get3A_467 = arith.index_cast %get3A_466 : i32 to index
      %get3A_468 = arith.index_cast %mul3A_10 : i32 to index
      %get3A_469 = tpu.vector_load %arg7[%get3A_467, %get3A_468] {strides = array<i32>} : memref<64x512xf32, #tpu.memory_space<vmem>>, vector<1x16xf32>,
      %get3A_470 = vector.shape_cast %get3A_469 : vector<1x16xf32> to vector<16xf32>
      %get3A_471 = arith.constant 41 : i32
      %get3A_472 = arith.index_cast %get3A_471 : i32 to index
      %get3A_473 = arith.index_cast %mul3A_10 : i32 to index
      %get3A_474 = tpu.vector_load %arg7[%get3A_472, %get3A_473] {strides = array<i32>} : memref<64x512xf32, #tpu.memory_space<vmem>>, vector<1x16xf32>,
      %get3A_475 = vector.shape_cast %get3A_474 : vector<1x16xf32> to vector<16xf32>
      %gt3A_476 = arith.cmpf ogt, %get3A_475, %get3A_470 : vector<16xf32>
      %select_n3A_477 = arith.select %gt3A_476, %get3A_475, %get3A_470 : vector<16xi1>, vector<16xf32>
      %jit3A_478 = arith.constant 41 : i32
      %jit3A_479 = arith.constant 40 : i32
      %broadcast_in_dim3A_480 = vector.broadcast %jit3A_478 : i32 to vector<16xi32>
      %broadcast_in_dim3A_481 = vector.broadcast %jit3A_479 : i32 to vector<16xi32>
      %select_n3A_482 = arith.select %gt3A_476, %broadcast_in_dim3A_480, %broadcast_in_dim3A_481 : vector<16xi1>, vector<16xi32>
      %select_n3A_483 = arith.select %gt3A_476, %get3A_470, %get3A_475 : vector<16xi1>, vector<16xf32>
      %jit3A_484 = arith.constant 40 : i32
      %jit3A_485 = arith.constant 41 : i32
      %broadcast_in_dim3A_486 = vector.broadcast %jit3A_484 : i32 to vector<16xi32>
      %broadcast_in_dim3A_487 = vector.broadcast %jit3A_485 : i32 to vector<16xi32>
      %select_n3A_488 = arith.select %gt3A_476, %broadcast_in_dim3A_486, %broadcast_in_dim3A_487 : vector<16xi1>, vector<16xi32>
      %get3A_489 = arith.constant 42 : i32
      %get3A_490 = arith.index_cast %get3A_489 : i32 to index
      %get3A_491 = arith.index_cast %mul3A_10 : i32 to index
      %get3A_492 = tpu.vector_load %arg7[%get3A_490, %get3A_491] {strides = array<i32>} : memref<64x512xf32, #tpu.memory_space<vmem>>, vector<1x16xf32>,
      %get3A_493 = vector.shape_cast %get3A_492 : vector<1x16xf32> to vector<16xf32>
      %get3A_494 = arith.constant 43 : i32
      %get3A_495 = arith.index_cast %get3A_494 : i32 to index
      %get3A_496 = arith.index_cast %mul3A_10 : i32 to index
      %get3A_497 = tpu.vector_load %arg7[%get3A_495, %get3A_496] {strides = array<i32>} : memref<64x512xf32, #tpu.memory_space<vmem>>, vector<1x16xf32>,
      %get3A_498 = vector.shape_cast %get3A_497 : vector<1x16xf32> to vector<16xf32>
      %gt3A_499 = arith.cmpf ogt, %get3A_498, %get3A_493 : vector<16xf32>
      %select_n3A_500 = arith.select %gt3A_499, %get3A_498, %get3A_493 : vector<16xi1>, vector<16xf32>
      %jit3A_501 = arith.constant 43 : i32
      %jit3A_502 = arith.constant 42 : i32
      %broadcast_in_dim3A_503 = vector.broadcast %jit3A_501 : i32 to vector<16xi32>
      %broadcast_in_dim3A_504 = vector.broadcast %jit3A_502 : i32 to vector<16xi32>
      %select_n3A_505 = arith.select %gt3A_499, %broadcast_in_dim3A_503, %broadcast_in_dim3A_504 : vector<16xi1>, vector<16xi32>
      %select_n3A_506 = arith.select %gt3A_499, %get3A_493, %get3A_498 : vector<16xi1>, vector<16xf32>
      %jit3A_507 = arith.constant 42 : i32
      %jit3A_508 = arith.constant 43 : i32
      %broadcast_in_dim3A_509 = vector.broadcast %jit3A_507 : i32 to vector<16xi32>
      %broadcast_in_dim3A_510 = vector.broadcast %jit3A_508 : i32 to vector<16xi32>
      %select_n3A_511 = arith.select %gt3A_499, %broadcast_in_dim3A_509, %broadcast_in_dim3A_510 : vector<16xi1>, vector<16xi32>
      %get3A_512 = arith.constant 44 : i32
      %get3A_513 = arith.index_cast %get3A_512 : i32 to index
      %get3A_514 = arith.index_cast %mul3A_10 : i32 to index
      %get3A_515 = tpu.vector_load %arg7[%get3A_513, %get3A_514] {strides = array<i32>} : memref<64x512xf32, #tpu.memory_space<vmem>>, vector<1x16xf32>,
      %get3A_516 = vector.shape_cast %get3A_515 : vector<1x16xf32> to vector<16xf32>
      %get3A_517 = arith.constant 45 : i32
      %get3A_518 = arith.index_cast %get3A_517 : i32 to index
      %get3A_519 = arith.index_cast %mul3A_10 : i32 to index
      %get3A_520 = tpu.vector_load %arg7[%get3A_518, %get3A_519] {strides = array<i32>} : memref<64x512xf32, #tpu.memory_space<vmem>>, vector<1x16xf32>,
      %get3A_521 = vector.shape_cast %get3A_520 : vector<1x16xf32> to vector<16xf32>
      %gt3A_522 = arith.cmpf ogt, %get3A_521, %get3A_516 : vector<16xf32>
      %select_n3A_523 = arith.select %gt3A_522, %get3A_521, %get3A_516 : vector<16xi1>, vector<16xf32>
      %jit3A_524 = arith.constant 45 : i32
      %jit3A_525 = arith.constant 44 : i32
      %broadcast_in_dim3A_526 = vector.broadcast %jit3A_524 : i32 to vector<16xi32>
      %broadcast_in_dim3A_527 = vector.broadcast %jit3A_525 : i32 to vector<16xi32>
      %select_n3A_528 = arith.select %gt3A_522, %broadcast_in_dim3A_526, %broadcast_in_dim3A_527 : vector<16xi1>, vector<16xi32>
      %select_n3A_529 = arith.select %gt3A_522, %get3A_516, %get3A_521 : vector<16xi1>, vector<16xf32>
      %jit3A_530 = arith.constant 44 : i32
      %jit3A_531 = arith.constant 45 : i32
      %broadcast_in_dim3A_532 = vector.broadcast %jit3A_530 : i32 to vector<16xi32>
      %broadcast_in_dim3A_533 = vector.broadcast %jit3A_531 : i32 to vector<16xi32>
      %select_n3A_534 = arith.select %gt3A_522, %broadcast_in_dim3A_532, %broadcast_in_dim3A_533 : vector<16xi1>, vector<16xi32>
      %get3A_535 = arith.constant 46 : i32
      %get3A_536 = arith.index_cast %get3A_535 : i32 to index
      %get3A_537 = arith.index_cast %mul3A_10 : i32 to index
      %get3A_538 = tpu.vector_load %arg7[%get3A_536, %get3A_537] {strides = array<i32>} : memref<64x512xf32, #tpu.memory_space<vmem>>, vector<1x16xf32>,
      %get3A_539 = vector.shape_cast %get3A_538 : vector<1x16xf32> to vector<16xf32>
      %get3A_540 = arith.constant 47 : i32
      %get3A_541 = arith.index_cast %get3A_540 : i32 to index
      %get3A_542 = arith.index_cast %mul3A_10 : i32 to index
      %get3A_543 = tpu.vector_load %arg7[%get3A_541, %get3A_542] {strides = array<i32>} : memref<64x512xf32, #tpu.memory_space<vmem>>, vector<1x16xf32>,
      %get3A_544 = vector.shape_cast %get3A_543 : vector<1x16xf32> to vector<16xf32>
      %gt3A_545 = arith.cmpf ogt, %get3A_544, %get3A_539 : vector<16xf32>
      %select_n3A_546 = arith.select %gt3A_545, %get3A_544, %get3A_539 : vector<16xi1>, vector<16xf32>
      %jit3A_547 = arith.constant 47 : i32
      %jit3A_548 = arith.constant 46 : i32
      %broadcast_in_dim3A_549 = vector.broadcast %jit3A_547 : i32 to vector<16xi32>
      %broadcast_in_dim3A_550 = vector.broadcast %jit3A_548 : i32 to vector<16xi32>
      %select_n3A_551 = arith.select %gt3A_545, %broadcast_in_dim3A_549, %broadcast_in_dim3A_550 : vector<16xi1>, vector<16xi32>
      %select_n3A_552 = arith.select %gt3A_545, %get3A_539, %get3A_544 : vector<16xi1>, vector<16xf32>
      %jit3A_553 = arith.constant 46 : i32
      %jit3A_554 = arith.constant 47 : i32
      %broadcast_in_dim3A_555 = vector.broadcast %jit3A_553 : i32 to vector<16xi32>
      %broadcast_in_dim3A_556 = vector.broadcast %jit3A_554 : i32 to vector<16xi32>
      %select_n3A_557 = arith.select %gt3A_545, %broadcast_in_dim3A_555, %broadcast_in_dim3A_556 : vector<16xi1>, vector<16xi32>
      %get3A_558 = arith.constant 48 : i32
      %get3A_559 = arith.index_cast %get3A_558 : i32 to index
      %get3A_560 = arith.index_cast %mul3A_10 : i32 to index
      %get3A_561 = tpu.vector_load %arg7[%get3A_559, %get3A_560] {strides = array<i32>} : memref<64x512xf32, #tpu.memory_space<vmem>>, vector<1x16xf32>,
      %get3A_562 = vector.shape_cast %get3A_561 : vector<1x16xf32> to vector<16xf32>
      %get3A_563 = arith.constant 49 : i32
      %get3A_564 = arith.index_cast %get3A_563 : i32 to index
      %get3A_565 = arith.index_cast %mul3A_10 : i32 to index
      %get3A_566 = tpu.vector_load %arg7[%get3A_564, %get3A_565] {strides = array<i32>} : memref<64x512xf32, #tpu.memory_space<vmem>>, vector<1x16xf32>,
      %get3A_567 = vector.shape_cast %get3A_566 : vector<1x16xf32> to vector<16xf32>
      %gt3A_568 = arith.cmpf ogt, %get3A_567, %get3A_562 : vector<16xf32>
      %select_n3A_569 = arith.select %gt3A_568, %get3A_567, %get3A_562 : vector<16xi1>, vector<16xf32>
      %jit3A_570 = arith.constant 49 : i32
      %jit3A_571 = arith.constant 48 : i32
      %broadcast_in_dim3A_572 = vector.broadcast %jit3A_570 : i32 to vector<16xi32>
      %broadcast_in_dim3A_573 = vector.broadcast %jit3A_571 : i32 to vector<16xi32>
      %select_n3A_574 = arith.select %gt3A_568, %broadcast_in_dim3A_572, %broadcast_in_dim3A_573 : vector<16xi1>, vector<16xi32>
      %select_n3A_575 = arith.select %gt3A_568, %get3A_562, %get3A_567 : vector<16xi1>, vector<16xf32>
      %jit3A_576 = arith.constant 48 : i32
      %jit3A_577 = arith.constant 49 : i32
      %broadcast_in_dim3A_578 = vector.broadcast %jit3A_576 : i32 to vector<16xi32>
      %broadcast_in_dim3A_579 = vector.broadcast %jit3A_577 : i32 to vector<16xi32>
      %select_n3A_580 = arith.select %gt3A_568, %broadcast_in_dim3A_578, %broadcast_in_dim3A_579 : vector<16xi1>, vector<16xi32>
      %get3A_581 = arith.constant 50 : i32
      %get3A_582 = arith.index_cast %get3A_581 : i32 to index
      %get3A_583 = arith.index_cast %mul3A_10 : i32 to index
      %get3A_584 = tpu.vector_load %arg7[%get3A_582, %get3A_583] {strides = array<i32>} : memref<64x512xf32, #tpu.memory_space<vmem>>, vector<1x16xf32>,
      %get3A_585 = vector.shape_cast %get3A_584 : vector<1x16xf32> to vector<16xf32>
      %get3A_586 = arith.constant 51 : i32
      %get3A_587 = arith.index_cast %get3A_586 : i32 to index
      %get3A_588 = arith.index_cast %mul3A_10 : i32 to index
      %get3A_589 = tpu.vector_load %arg7[%get3A_587, %get3A_588] {strides = array<i32>} : memref<64x512xf32, #tpu.memory_space<vmem>>, vector<1x16xf32>,
      %get3A_590 = vector.shape_cast %get3A_589 : vector<1x16xf32> to vector<16xf32>
      %gt3A_591 = arith.cmpf ogt, %get3A_590, %get3A_585 : vector<16xf32>
      %select_n3A_592 = arith.select %gt3A_591, %get3A_590, %get3A_585 : vector<16xi1>, vector<16xf32>
      %jit3A_593 = arith.constant 51 : i32
      %jit3A_594 = arith.constant 50 : i32
      %broadcast_in_dim3A_595 = vector.broadcast %jit3A_593 : i32 to vector<16xi32>
      %broadcast_in_dim3A_596 = vector.broadcast %jit3A_594 : i32 to vector<16xi32>
      %select_n3A_597 = arith.select %gt3A_591, %broadcast_in_dim3A_595, %broadcast_in_dim3A_596 : vector<16xi1>, vector<16xi32>
      %select_n3A_598 = arith.select %gt3A_591, %get3A_585, %get3A_590 : vector<16xi1>, vector<16xf32>
      %jit3A_599 = arith.constant 50 : i32
      %jit3A_600 = arith.constant 51 : i32
      %broadcast_in_dim3A_601 = vector.broadcast %jit3A_599 : i32 to vector<16xi32>
      %broadcast_in_dim3A_602 = vector.broadcast %jit3A_600 : i32 to vector<16xi32>
      %select_n3A_603 = arith.select %gt3A_591, %broadcast_in_dim3A_601, %broadcast_in_dim3A_602 : vector<16xi1>, vector<16xi32>
      %get3A_604 = arith.constant 52 : i32
      %get3A_605 = arith.index_cast %get3A_604 : i32 to index
      %get3A_606 = arith.index_cast %mul3A_10 : i32 to index
      %get3A_607 = tpu.vector_load %arg7[%get3A_605, %get3A_606] {strides = array<i32>} : memref<64x512xf32, #tpu.memory_space<vmem>>, vector<1x16xf32>,
      %get3A_608 = vector.shape_cast %get3A_607 : vector<1x16xf32> to vector<16xf32>
      %get3A_609 = arith.constant 53 : i32
      %get3A_610 = arith.index_cast %get3A_609 : i32 to index
      %get3A_611 = arith.index_cast %mul3A_10 : i32 to index
      %get3A_612 = tpu.vector_load %arg7[%get3A_610, %get3A_611] {strides = array<i32>} : memref<64x512xf32, #tpu.memory_space<vmem>>, vector<1x16xf32>,
      %get3A_613 = vector.shape_cast %get3A_612 : vector<1x16xf32> to vector<16xf32>
      %gt3A_614 = arith.cmpf ogt, %get3A_613, %get3A_608 : vector<16xf32>
      %select_n3A_615 = arith.select %gt3A_614, %get3A_613, %get3A_608 : vector<16xi1>, vector<16xf32>
      %jit3A_616 = arith.constant 53 : i32
      %jit3A_617 = arith.constant 52 : i32
      %broadcast_in_dim3A_618 = vector.broadcast %jit3A_616 : i32 to vector<16xi32>
      %broadcast_in_dim3A_619 = vector.broadcast %jit3A_617 : i32 to vector<16xi32>
      %select_n3A_620 = arith.select %gt3A_614, %broadcast_in_dim3A_618, %broadcast_in_dim3A_619 : vector<16xi1>, vector<16xi32>
      %select_n3A_621 = arith.select %gt3A_614, %get3A_608, %get3A_613 : vector<16xi1>, vector<16xf32>
      %jit3A_622 = arith.constant 52 : i32
      %jit3A_623 = arith.constant 53 : i32
      %broadcast_in_dim3A_624 = vector.broadcast %jit3A_622 : i32 to vector<16xi32>
      %broadcast_in_dim3A_625 = vector.broadcast %jit3A_623 : i32 to vector<16xi32>
      %select_n3A_626 = arith.select %gt3A_614, %broadcast_in_dim3A_624, %broadcast_in_dim3A_625 : vector<16xi1>, vector<16xi32>
      %get3A_627 = arith.constant 54 : i32
      %get3A_628 = arith.index_cast %get3A_627 : i32 to index
      %get3A_629 = arith.index_cast %mul3A_10 : i32 to index
      %get3A_630 = tpu.vector_load %arg7[%get3A_628, %get3A_629] {strides = array<i32>} : memref<64x512xf32, #tpu.memory_space<vmem>>, vector<1x16xf32>,
      %get3A_631 = vector.shape_cast %get3A_630 : vector<1x16xf32> to vector<16xf32>
      %get3A_632 = arith.constant 55 : i32
      %get3A_633 = arith.index_cast %get3A_632 : i32 to index
      %get3A_634 = arith.index_cast %mul3A_10 : i32 to index
      %get3A_635 = tpu.vector_load %arg7[%get3A_633, %get3A_634] {strides = array<i32>} : memref<64x512xf32, #tpu.memory_space<vmem>>, vector<1x16xf32>,
      %get3A_636 = vector.shape_cast %get3A_635 : vector<1x16xf32> to vector<16xf32>
      %gt3A_637 = arith.cmpf ogt, %get3A_636, %get3A_631 : vector<16xf32>
      %select_n3A_638 = arith.select %gt3A_637, %get3A_636, %get3A_631 : vector<16xi1>, vector<16xf32>
      %jit3A_639 = arith.constant 55 : i32
      %jit3A_640 = arith.constant 54 : i32
      %broadcast_in_dim3A_641 = vector.broadcast %jit3A_639 : i32 to vector<16xi32>
      %broadcast_in_dim3A_642 = vector.broadcast %jit3A_640 : i32 to vector<16xi32>
      %select_n3A_643 = arith.select %gt3A_637, %broadcast_in_dim3A_641, %broadcast_in_dim3A_642 : vector<16xi1>, vector<16xi32>
      %select_n3A_644 = arith.select %gt3A_637, %get3A_631, %get3A_636 : vector<16xi1>, vector<16xf32>
      %jit3A_645 = arith.constant 54 : i32
      %jit3A_646 = arith.constant 55 : i32
      %broadcast_in_dim3A_647 = vector.broadcast %jit3A_645 : i32 to vector<16xi32>
      %broadcast_in_dim3A_648 = vector.broadcast %jit3A_646 : i32 to vector<16xi32>
      %select_n3A_649 = arith.select %gt3A_637, %broadcast_in_dim3A_647, %broadcast_in_dim3A_648 : vector<16xi1>, vector<16xi32>
      %get3A_650 = arith.constant 56 : i32
      %get3A_651 = arith.index_cast %get3A_650 : i32 to index
      %get3A_652 = arith.index_cast %mul3A_10 : i32 to index
      %get3A_653 = tpu.vector_load %arg7[%get3A_651, %get3A_652] {strides = array<i32>} : memref<64x512xf32, #tpu.memory_space<vmem>>, vector<1x16xf32>,
      %get3A_654 = vector.shape_cast %get3A_653 : vector<1x16xf32> to vector<16xf32>
      %get3A_655 = arith.constant 57 : i32
      %get3A_656 = arith.index_cast %get3A_655 : i32 to index
      %get3A_657 = arith.index_cast %mul3A_10 : i32 to index
      %get3A_658 = tpu.vector_load %arg7[%get3A_656, %get3A_657] {strides = array<i32>} : memref<64x512xf32, #tpu.memory_space<vmem>>, vector<1x16xf32>,
      %get3A_659 = vector.shape_cast %get3A_658 : vector<1x16xf32> to vector<16xf32>
      %gt3A_660 = arith.cmpf ogt, %get3A_659, %get3A_654 : vector<16xf32>
      %select_n3A_661 = arith.select %gt3A_660, %get3A_659, %get3A_654 : vector<16xi1>, vector<16xf32>
      %jit3A_662 = arith.constant 57 : i32
      %jit3A_663 = arith.constant 56 : i32
      %broadcast_in_dim3A_664 = vector.broadcast %jit3A_662 : i32 to vector<16xi32>
      %broadcast_in_dim3A_665 = vector.broadcast %jit3A_663 : i32 to vector<16xi32>
      %select_n3A_666 = arith.select %gt3A_660, %broadcast_in_dim3A_664, %broadcast_in_dim3A_665 : vector<16xi1>, vector<16xi32>
      %select_n3A_667 = arith.select %gt3A_660, %get3A_654, %get3A_659 : vector<16xi1>, vector<16xf32>
      %jit3A_668 = arith.constant 56 : i32
      %jit3A_669 = arith.constant 57 : i32
      %broadcast_in_dim3A_670 = vector.broadcast %jit3A_668 : i32 to vector<16xi32>
      %broadcast_in_dim3A_671 = vector.broadcast %jit3A_669 : i32 to vector<16xi32>
      %select_n3A_672 = arith.select %gt3A_660, %broadcast_in_dim3A_670, %broadcast_in_dim3A_671 : vector<16xi1>, vector<16xi32>
      %get3A_673 = arith.constant 58 : i32
      %get3A_674 = arith.index_cast %get3A_673 : i32 to index
      %get3A_675 = arith.index_cast %mul3A_10 : i32 to index
      %get3A_676 = tpu.vector_load %arg7[%get3A_674, %get3A_675] {strides = array<i32>} : memref<64x512xf32, #tpu.memory_space<vmem>>, vector<1x16xf32>,
      %get3A_677 = vector.shape_cast %get3A_676 : vector<1x16xf32> to vector<16xf32>
      %get3A_678 = arith.constant 59 : i32
      %get3A_679 = arith.index_cast %get3A_678 : i32 to index
      %get3A_680 = arith.index_cast %mul3A_10 : i32 to index
      %get3A_681 = tpu.vector_load %arg7[%get3A_679, %get3A_680] {strides = array<i32>} : memref<64x512xf32, #tpu.memory_space<vmem>>, vector<1x16xf32>,
      %get3A_682 = vector.shape_cast %get3A_681 : vector<1x16xf32> to vector<16xf32>
      %gt3A_683 = arith.cmpf ogt, %get3A_682, %get3A_677 : vector<16xf32>
      %select_n3A_684 = arith.select %gt3A_683, %get3A_682, %get3A_677 : vector<16xi1>, vector<16xf32>
      %jit3A_685 = arith.constant 59 : i32
      %jit3A_686 = arith.constant 58 : i32
      %broadcast_in_dim3A_687 = vector.broadcast %jit3A_685 : i32 to vector<16xi32>
      %broadcast_in_dim3A_688 = vector.broadcast %jit3A_686 : i32 to vector<16xi32>
      %select_n3A_689 = arith.select %gt3A_683, %broadcast_in_dim3A_687, %broadcast_in_dim3A_688 : vector<16xi1>, vector<16xi32>
      %select_n3A_690 = arith.select %gt3A_683, %get3A_677, %get3A_682 : vector<16xi1>, vector<16xf32>
      %jit3A_691 = arith.constant 58 : i32
      %jit3A_692 = arith.constant 59 : i32
      %broadcast_in_dim3A_693 = vector.broadcast %jit3A_691 : i32 to vector<16xi32>
      %broadcast_in_dim3A_694 = vector.broadcast %jit3A_692 : i32 to vector<16xi32>
      %select_n3A_695 = arith.select %gt3A_683, %broadcast_in_dim3A_693, %broadcast_in_dim3A_694 : vector<16xi1>, vector<16xi32>
      %get3A_696 = arith.constant 60 : i32
      %get3A_697 = arith.index_cast %get3A_696 : i32 to index
      %get3A_698 = arith.index_cast %mul3A_10 : i32 to index
      %get3A_699 = tpu.vector_load %arg7[%get3A_697, %get3A_698] {strides = array<i32>} : memref<64x512xf32, #tpu.memory_space<vmem>>, vector<1x16xf32>,
      %get3A_700 = vector.shape_cast %get3A_699 : vector<1x16xf32> to vector<16xf32>
      %get3A_701 = arith.constant 61 : i32
      %get3A_702 = arith.index_cast %get3A_701 : i32 to index
      %get3A_703 = arith.index_cast %mul3A_10 : i32 to index
      %get3A_704 = tpu.vector_load %arg7[%get3A_702, %get3A_703] {strides = array<i32>} : memref<64x512xf32, #tpu.memory_space<vmem>>, vector<1x16xf32>,
      %get3A_705 = vector.shape_cast %get3A_704 : vector<1x16xf32> to vector<16xf32>
      %gt3A_706 = arith.cmpf ogt, %get3A_705, %get3A_700 : vector<16xf32>
      %select_n3A_707 = arith.select %gt3A_706, %get3A_705, %get3A_700 : vector<16xi1>, vector<16xf32>
      %jit3A_708 = arith.constant 61 : i32
      %jit3A_709 = arith.constant 60 : i32
      %broadcast_in_dim3A_710 = vector.broadcast %jit3A_708 : i32 to vector<16xi32>
      %broadcast_in_dim3A_711 = vector.broadcast %jit3A_709 : i32 to vector<16xi32>
      %select_n3A_712 = arith.select %gt3A_706, %broadcast_in_dim3A_710, %broadcast_in_dim3A_711 : vector<16xi1>, vector<16xi32>
      %select_n3A_713 = arith.select %gt3A_706, %get3A_700, %get3A_705 : vector<16xi1>, vector<16xf32>
      %jit3A_714 = arith.constant 60 : i32
      %jit3A_715 = arith.constant 61 : i32
      %broadcast_in_dim3A_716 = vector.broadcast %jit3A_714 : i32 to vector<16xi32>
      %broadcast_in_dim3A_717 = vector.broadcast %jit3A_715 : i32 to vector<16xi32>
      %select_n3A_718 = arith.select %gt3A_706, %broadcast_in_dim3A_716, %broadcast_in_dim3A_717 : vector<16xi1>, vector<16xi32>
      %get3A_719 = arith.constant 62 : i32
      %get3A_720 = arith.index_cast %get3A_719 : i32 to index
      %get3A_721 = arith.index_cast %mul3A_10 : i32 to index
      %get3A_722 = tpu.vector_load %arg7[%get3A_720, %get3A_721] {strides = array<i32>} : memref<64x512xf32, #tpu.memory_space<vmem>>, vector<1x16xf32>,
      %get3A_723 = vector.shape_cast %get3A_722 : vector<1x16xf32> to vector<16xf32>
      %get3A_724 = arith.constant 63 : i32
      %get3A_725 = arith.index_cast %get3A_724 : i32 to index
      %get3A_726 = arith.index_cast %mul3A_10 : i32 to index
      %get3A_727 = tpu.vector_load %arg7[%get3A_725, %get3A_726] {strides = array<i32>} : memref<64x512xf32, #tpu.memory_space<vmem>>, vector<1x16xf32>,
      %get3A_728 = vector.shape_cast %get3A_727 : vector<1x16xf32> to vector<16xf32>
      %gt3A_729 = arith.cmpf ogt, %get3A_728, %get3A_723 : vector<16xf32>
      %select_n3A_730 = arith.select %gt3A_729, %get3A_728, %get3A_723 : vector<16xi1>, vector<16xf32>
      %jit3A_731 = arith.constant 63 : i32
      %jit3A_732 = arith.constant 62 : i32
      %broadcast_in_dim3A_733 = vector.broadcast %jit3A_731 : i32 to vector<16xi32>
      %broadcast_in_dim3A_734 = vector.broadcast %jit3A_732 : i32 to vector<16xi32>
      %select_n3A_735 = arith.select %gt3A_729, %broadcast_in_dim3A_733, %broadcast_in_dim3A_734 : vector<16xi1>, vector<16xi32>
      %select_n3A_736 = arith.select %gt3A_729, %get3A_723, %get3A_728 : vector<16xi1>, vector<16xf32>
      %jit3A_737 = arith.constant 62 : i32
      %jit3A_738 = arith.constant 63 : i32
      %broadcast_in_dim3A_739 = vector.broadcast %jit3A_737 : i32 to vector<16xi32>
      %broadcast_in_dim3A_740 = vector.broadcast %jit3A_738 : i32 to vector<16xi32>
      %select_n3A_741 = arith.select %gt3A_729, %broadcast_in_dim3A_739, %broadcast_in_dim3A_740 : vector<16xi1>, vector<16xi32>
      %gt3A_742 = arith.cmpf ogt, %select_n3A_40, %select_n3A : vector<16xf32>
      %select_n3A_743 = arith.select %gt3A_742, %select_n3A_40, %select_n3A : vector<16xi1>, vector<16xf32>
      %select_n3A_744 = arith.select %gt3A_742, %select_n3A_45, %select_n3A_22 : vector<16xi1>, vector<16xi32>
      %select_n3A_745 = arith.select %gt3A_742, %select_n3A, %select_n3A_23 : vector<16xi1>, vector<16xf32>
      %select_n3A_746 = arith.select %gt3A_742, %select_n3A_22, %select_n3A_28 : vector<16xi1>, vector<16xi32>
      %select_n3A_747 = arith.select %gt3A_742, %select_n3A_46, %select_n3A_40 : vector<16xi1>, vector<16xf32>
      %select_n3A_748 = arith.select %gt3A_742, %select_n3A_51, %select_n3A_45 : vector<16xi1>, vector<16xi32>
      %gt3A_749 = arith.cmpf ogt, %select_n3A_747, %select_n3A_745 : vector<16xf32>
      %select_n3A_750 = arith.select %gt3A_749, %select_n3A_747, %select_n3A_745 : vector<16xi1>, vector<16xf32>
      %select_n3A_751 = arith.select %gt3A_749, %select_n3A_748, %select_n3A_746 : vector<16xi1>, vector<16xi32>
      %gt3A_752 = arith.cmpf ogt, %select_n3A_86, %select_n3A_63 : vector<16xf32>
      %select_n3A_753 = arith.select %gt3A_752, %select_n3A_86, %select_n3A_63 : vector<16xi1>, vector<16xf32>
      %select_n3A_754 = arith.select %gt3A_752, %select_n3A_91, %select_n3A_68 : vector<16xi1>, vector<16xi32>
      %select_n3A_755 = arith.select %gt3A_752, %select_n3A_63, %select_n3A_69 : vector<16xi1>, vector<16xf32>
      %select_n3A_756 = arith.select %gt3A_752, %select_n3A_68, %select_n3A_74 : vector<16xi1>, vector<16xi32>
      %select_n3A_757 = arith.select %gt3A_752, %select_n3A_92, %select_n3A_86 : vector<16xi1>, vector<16xf32>
      %select_n3A_758 = arith.select %gt3A_752, %select_n3A_97, %select_n3A_91 : vector<16xi1>, vector<16xi32>
      %gt3A_759 = arith.cmpf ogt, %select_n3A_757, %select_n3A_755 : vector<16xf32>
      %select_n3A_760 = arith.select %gt3A_759, %select_n3A_757, %select_n3A_755 : vector<16xi1>, vector<16xf32>
      %select_n3A_761 = arith.select %gt3A_759, %select_n3A_758, %select_n3A_756 : vector<16xi1>, vector<16xi32>
      %gt3A_762 = arith.cmpf ogt, %select_n3A_132, %select_n3A_109 : vector<16xf32>
      %select_n3A_763 = arith.select %gt3A_762, %select_n3A_132, %select_n3A_109 : vector<16xi1>, vector<16xf32>
      %select_n3A_764 = arith.select %gt3A_762, %select_n3A_137, %select_n3A_114 : vector<16xi1>, vector<16xi32>
      %select_n3A_765 = arith.select %gt3A_762, %select_n3A_109, %select_n3A_115 : vector<16xi1>, vector<16xf32>
      %select_n3A_766 = arith.select %gt3A_762, %select_n3A_114, %select_n3A_120 : vector<16xi1>, vector<16xi32>
      %select_n3A_767 = arith.select %gt3A_762, %select_n3A_138, %select_n3A_132 : vector<16xi1>, vector<16xf32>
      %select_n3A_768 = arith.select %gt3A_762, %select_n3A_143, %select_n3A_137 : vector<16xi1>, vector<16xi32>
      %gt3A_769 = arith.cmpf ogt, %select_n3A_767, %select_n3A_765 : vector<16xf32>
      %select_n3A_770 = arith.select %gt3A_769, %select_n3A_767, %select_n3A_765 : vector<16xi1>, vector<16xf32>
      %select_n3A_771 = arith.select %gt3A_769, %select_n3A_768, %select_n3A_766 : vector<16xi1>, vector<16xi32>
      %gt3A_772 = arith.cmpf ogt, %select_n3A_178, %select_n3A_155 : vector<16xf32>
      %select_n3A_773 = arith.select %gt3A_772, %select_n3A_178, %select_n3A_155 : vector<16xi1>, vector<16xf32>
      %select_n3A_774 = arith.select %gt3A_772, %select_n3A_183, %select_n3A_160 : vector<16xi1>, vector<16xi32>
      %select_n3A_775 = arith.select %gt3A_772, %select_n3A_155, %select_n3A_161 : vector<16xi1>, vector<16xf32>
      %select_n3A_776 = arith.select %gt3A_772, %select_n3A_160, %select_n3A_166 : vector<16xi1>, vector<16xi32>
      %select_n3A_777 = arith.select %gt3A_772, %select_n3A_184, %select_n3A_178 : vector<16xi1>, vector<16xf32>
      %select_n3A_778 = arith.select %gt3A_772, %select_n3A_189, %select_n3A_183 : vector<16xi1>, vector<16xi32>
      %gt3A_779 = arith.cmpf ogt, %select_n3A_777, %select_n3A_775 : vector<16xf32>
      %select_n3A_780 = arith.select %gt3A_779, %select_n3A_777, %select_n3A_775 : vector<16xi1>, vector<16xf32>
      %select_n3A_781 = arith.select %gt3A_779, %select_n3A_778, %select_n3A_776 : vector<16xi1>, vector<16xi32>
      %gt3A_782 = arith.cmpf ogt, %select_n3A_224, %select_n3A_201 : vector<16xf32>
      %select_n3A_783 = arith.select %gt3A_782, %select_n3A_224, %select_n3A_201 : vector<16xi1>, vector<16xf32>
      %select_n3A_784 = arith.select %gt3A_782, %select_n3A_229, %select_n3A_206 : vector<16xi1>, vector<16xi32>
      %select_n3A_785 = arith.select %gt3A_782, %select_n3A_201, %select_n3A_207 : vector<16xi1>, vector<16xf32>
      %select_n3A_786 = arith.select %gt3A_782, %select_n3A_206, %select_n3A_212 : vector<16xi1>, vector<16xi32>
      %select_n3A_787 = arith.select %gt3A_782, %select_n3A_230, %select_n3A_224 : vector<16xi1>, vector<16xf32>
      %select_n3A_788 = arith.select %gt3A_782, %select_n3A_235, %select_n3A_229 : vector<16xi1>, vector<16xi32>
      %gt3A_789 = arith.cmpf ogt, %select_n3A_787, %select_n3A_785 : vector<16xf32>
      %select_n3A_790 = arith.select %gt3A_789, %select_n3A_787, %select_n3A_785 : vector<16xi1>, vector<16xf32>
      %select_n3A_791 = arith.select %gt3A_789, %select_n3A_788, %select_n3A_786 : vector<16xi1>, vector<16xi32>
      %gt3A_792 = arith.cmpf ogt, %select_n3A_270, %select_n3A_247 : vector<16xf32>
      %select_n3A_793 = arith.select %gt3A_792, %select_n3A_270, %select_n3A_247 : vector<16xi1>, vector<16xf32>
      %select_n3A_794 = arith.select %gt3A_792, %select_n3A_275, %select_n3A_252 : vector<16xi1>, vector<16xi32>
      %select_n3A_795 = arith.select %gt3A_792, %select_n3A_247, %select_n3A_253 : vector<16xi1>, vector<16xf32>
      %select_n3A_796 = arith.select %gt3A_792, %select_n3A_252, %select_n3A_258 : vector<16xi1>, vector<16xi32>
      %select_n3A_797 = arith.select %gt3A_792, %select_n3A_276, %select_n3A_270 : vector<16xi1>, vector<16xf32>
      %select_n3A_798 = arith.select %gt3A_792, %select_n3A_281, %select_n3A_275 : vector<16xi1>, vector<16xi32>
      %gt3A_799 = arith.cmpf ogt, %select_n3A_797, %select_n3A_795 : vector<16xf32>
      %select_n3A_800 = arith.select %gt3A_799, %select_n3A_797, %select_n3A_795 : vector<16xi1>, vector<16xf32>
      %select_n3A_801 = arith.select %gt3A_799, %select_n3A_798, %select_n3A_796 : vector<16xi1>, vector<16xi32>
      %gt3A_802 = arith.cmpf ogt, %select_n3A_316, %select_n3A_293 : vector<16xf32>
      %select_n3A_803 = arith.select %gt3A_802, %select_n3A_316, %select_n3A_293 : vector<16xi1>, vector<16xf32>
      %select_n3A_804 = arith.select %gt3A_802, %select_n3A_321, %select_n3A_298 : vector<16xi1>, vector<16xi32>
      %select_n3A_805 = arith.select %gt3A_802, %select_n3A_293, %select_n3A_299 : vector<16xi1>, vector<16xf32>
      %select_n3A_806 = arith.select %gt3A_802, %select_n3A_298, %select_n3A_304 : vector<16xi1>, vector<16xi32>
      %select_n3A_807 = arith.select %gt3A_802, %select_n3A_322, %select_n3A_316 : vector<16xi1>, vector<16xf32>
      %select_n3A_808 = arith.select %gt3A_802, %select_n3A_327, %select_n3A_321 : vector<16xi1>, vector<16xi32>
      %gt3A_809 = arith.cmpf ogt, %select_n3A_807, %select_n3A_805 : vector<16xf32>
      %select_n3A_810 = arith.select %gt3A_809, %select_n3A_807, %select_n3A_805 : vector<16xi1>, vector<16xf32>
      %select_n3A_811 = arith.select %gt3A_809, %select_n3A_808, %select_n3A_806 : vector<16xi1>, vector<16xi32>
      %gt3A_812 = arith.cmpf ogt, %select_n3A_362, %select_n3A_339 : vector<16xf32>
      %select_n3A_813 = arith.select %gt3A_812, %select_n3A_362, %select_n3A_339 : vector<16xi1>, vector<16xf32>
      %select_n3A_814 = arith.select %gt3A_812, %select_n3A_367, %select_n3A_344 : vector<16xi1>, vector<16xi32>
      %select_n3A_815 = arith.select %gt3A_812, %select_n3A_339, %select_n3A_345 : vector<16xi1>, vector<16xf32>
      %select_n3A_816 = arith.select %gt3A_812, %select_n3A_344, %select_n3A_350 : vector<16xi1>, vector<16xi32>
      %select_n3A_817 = arith.select %gt3A_812, %select_n3A_368, %select_n3A_362 : vector<16xi1>, vector<16xf32>
      %select_n3A_818 = arith.select %gt3A_812, %select_n3A_373, %select_n3A_367 : vector<16xi1>, vector<16xi32>
      %gt3A_819 = arith.cmpf ogt, %select_n3A_817, %select_n3A_815 : vector<16xf32>
      %select_n3A_820 = arith.select %gt3A_819, %select_n3A_817, %select_n3A_815 : vector<16xi1>, vector<16xf32>
      %select_n3A_821 = arith.select %gt3A_819, %select_n3A_818, %select_n3A_816 : vector<16xi1>, vector<16xi32>
      %gt3A_822 = arith.cmpf ogt, %select_n3A_408, %select_n3A_385 : vector<16xf32>
      %select_n3A_823 = arith.select %gt3A_822, %select_n3A_408, %select_n3A_385 : vector<16xi1>, vector<16xf32>
      %select_n3A_824 = arith.select %gt3A_822, %select_n3A_413, %select_n3A_390 : vector<16xi1>, vector<16xi32>
      %select_n3A_825 = arith.select %gt3A_822, %select_n3A_385, %select_n3A_391 : vector<16xi1>, vector<16xf32>
      %select_n3A_826 = arith.select %gt3A_822, %select_n3A_390, %select_n3A_396 : vector<16xi1>, vector<16xi32>
      %select_n3A_827 = arith.select %gt3A_822, %select_n3A_414, %select_n3A_408 : vector<16xi1>, vector<16xf32>
      %select_n3A_828 = arith.select %gt3A_822, %select_n3A_419, %select_n3A_413 : vector<16xi1>, vector<16xi32>
      %gt3A_829 = arith.cmpf ogt, %select_n3A_827, %select_n3A_825 : vector<16xf32>
      %select_n3A_830 = arith.select %gt3A_829, %select_n3A_827, %select_n3A_825 : vector<16xi1>, vector<16xf32>
      %select_n3A_831 = arith.select %gt3A_829, %select_n3A_828, %select_n3A_826 : vector<16xi1>, vector<16xi32>
      %gt3A_832 = arith.cmpf ogt, %select_n3A_454, %select_n3A_431 : vector<16xf32>
      %select_n3A_833 = arith.select %gt3A_832, %select_n3A_454, %select_n3A_431 : vector<16xi1>, vector<16xf32>
      %select_n3A_834 = arith.select %gt3A_832, %select_n3A_459, %select_n3A_436 : vector<16xi1>, vector<16xi32>
      %select_n3A_835 = arith.select %gt3A_832, %select_n3A_431, %select_n3A_437 : vector<16xi1>, vector<16xf32>
      %select_n3A_836 = arith.select %gt3A_832, %select_n3A_436, %select_n3A_442 : vector<16xi1>, vector<16xi32>
      %select_n3A_837 = arith.select %gt3A_832, %select_n3A_460, %select_n3A_454 : vector<16xi1>, vector<16xf32>
      %select_n3A_838 = arith.select %gt3A_832, %select_n3A_465, %select_n3A_459 : vector<16xi1>, vector<16xi32>
      %gt3A_839 = arith.cmpf ogt, %select_n3A_837, %select_n3A_835 : vector<16xf32>
      %select_n3A_840 = arith.select %gt3A_839, %select_n3A_837, %select_n3A_835 : vector<16xi1>, vector<16xf32>
      %select_n3A_841 = arith.select %gt3A_839, %select_n3A_838, %select_n3A_836 : vector<16xi1>, vector<16xi32>
      %gt3A_842 = arith.cmpf ogt, %select_n3A_500, %select_n3A_477 : vector<16xf32>
      %select_n3A_843 = arith.select %gt3A_842, %select_n3A_500, %select_n3A_477 : vector<16xi1>, vector<16xf32>
      %select_n3A_844 = arith.select %gt3A_842, %select_n3A_505, %select_n3A_482 : vector<16xi1>, vector<16xi32>
      %select_n3A_845 = arith.select %gt3A_842, %select_n3A_477, %select_n3A_483 : vector<16xi1>, vector<16xf32>
      %select_n3A_846 = arith.select %gt3A_842, %select_n3A_482, %select_n3A_488 : vector<16xi1>, vector<16xi32>
      %select_n3A_847 = arith.select %gt3A_842, %select_n3A_506, %select_n3A_500 : vector<16xi1>, vector<16xf32>
      %select_n3A_848 = arith.select %gt3A_842, %select_n3A_511, %select_n3A_505 : vector<16xi1>, vector<16xi32>
      %gt3A_849 = arith.cmpf ogt, %select_n3A_847, %select_n3A_845 : vector<16xf32>
      %select_n3A_850 = arith.select %gt3A_849, %select_n3A_847, %select_n3A_845 : vector<16xi1>, vector<16xf32>
      %select_n3A_851 = arith.select %gt3A_849, %select_n3A_848, %select_n3A_846 : vector<16xi1>, vector<16xi32>
      %gt3A_852 = arith.cmpf ogt, %select_n3A_546, %select_n3A_523 : vector<16xf32>
      %select_n3A_853 = arith.select %gt3A_852, %select_n3A_546, %select_n3A_523 : vector<16xi1>, vector<16xf32>
      %select_n3A_854 = arith.select %gt3A_852, %select_n3A_551, %select_n3A_528 : vector<16xi1>, vector<16xi32>
      %select_n3A_855 = arith.select %gt3A_852, %select_n3A_523, %select_n3A_529 : vector<16xi1>, vector<16xf32>
      %select_n3A_856 = arith.select %gt3A_852, %select_n3A_528, %select_n3A_534 : vector<16xi1>, vector<16xi32>
      %select_n3A_857 = arith.select %gt3A_852, %select_n3A_552, %select_n3A_546 : vector<16xi1>, vector<16xf32>
      %select_n3A_858 = arith.select %gt3A_852, %select_n3A_557, %select_n3A_551 : vector<16xi1>, vector<16xi32>
      %gt3A_859 = arith.cmpf ogt, %select_n3A_857, %select_n3A_855 : vector<16xf32>
      %select_n3A_860 = arith.select %gt3A_859, %select_n3A_857, %select_n3A_855 : vector<16xi1>, vector<16xf32>
      %select_n3A_861 = arith.select %gt3A_859, %select_n3A_858, %select_n3A_856 : vector<16xi1>, vector<16xi32>
      %gt3A_862 = arith.cmpf ogt, %select_n3A_592, %select_n3A_569 : vector<16xf32>
      %select_n3A_863 = arith.select %gt3A_862, %select_n3A_592, %select_n3A_569 : vector<16xi1>, vector<16xf32>
      %select_n3A_864 = arith.select %gt3A_862, %select_n3A_597, %select_n3A_574 : vector<16xi1>, vector<16xi32>
      %select_n3A_865 = arith.select %gt3A_862, %select_n3A_569, %select_n3A_575 : vector<16xi1>, vector<16xf32>
      %select_n3A_866 = arith.select %gt3A_862, %select_n3A_574, %select_n3A_580 : vector<16xi1>, vector<16xi32>
      %select_n3A_867 = arith.select %gt3A_862, %select_n3A_598, %select_n3A_592 : vector<16xi1>, vector<16xf32>
      %select_n3A_868 = arith.select %gt3A_862, %select_n3A_603, %select_n3A_597 : vector<16xi1>, vector<16xi32>
      %gt3A_869 = arith.cmpf ogt, %select_n3A_867, %select_n3A_865 : vector<16xf32>
      %select_n3A_870 = arith.select %gt3A_869, %select_n3A_867, %select_n3A_865 : vector<16xi1>, vector<16xf32>
      %select_n3A_871 = arith.select %gt3A_869, %select_n3A_868, %select_n3A_866 : vector<16xi1>, vector<16xi32>
      %gt3A_872 = arith.cmpf ogt, %select_n3A_638, %select_n3A_615 : vector<16xf32>
      %select_n3A_873 = arith.select %gt3A_872, %select_n3A_638, %select_n3A_615 : vector<16xi1>, vector<16xf32>
      %select_n3A_874 = arith.select %gt3A_872, %select_n3A_643, %select_n3A_620 : vector<16xi1>, vector<16xi32>
      %select_n3A_875 = arith.select %gt3A_872, %select_n3A_615, %select_n3A_621 : vector<16xi1>, vector<16xf32>
      %select_n3A_876 = arith.select %gt3A_872, %select_n3A_620, %select_n3A_626 : vector<16xi1>, vector<16xi32>
      %select_n3A_877 = arith.select %gt3A_872, %select_n3A_644, %select_n3A_638 : vector<16xi1>, vector<16xf32>
      %select_n3A_878 = arith.select %gt3A_872, %select_n3A_649, %select_n3A_643 : vector<16xi1>, vector<16xi32>
      %gt3A_879 = arith.cmpf ogt, %select_n3A_877, %select_n3A_875 : vector<16xf32>
      %select_n3A_880 = arith.select %gt3A_879, %select_n3A_877, %select_n3A_875 : vector<16xi1>, vector<16xf32>
      %select_n3A_881 = arith.select %gt3A_879, %select_n3A_878, %select_n3A_876 : vector<16xi1>, vector<16xi32>
      %gt3A_882 = arith.cmpf ogt, %select_n3A_684, %select_n3A_661 : vector<16xf32>
      %select_n3A_883 = arith.select %gt3A_882, %select_n3A_684, %select_n3A_661 : vector<16xi1>, vector<16xf32>
      %select_n3A_884 = arith.select %gt3A_882, %select_n3A_689, %select_n3A_666 : vector<16xi1>, vector<16xi32>
      %select_n3A_885 = arith.select %gt3A_882, %select_n3A_661, %select_n3A_667 : vector<16xi1>, vector<16xf32>
      %select_n3A_886 = arith.select %gt3A_882, %select_n3A_666, %select_n3A_672 : vector<16xi1>, vector<16xi32>
      %select_n3A_887 = arith.select %gt3A_882, %select_n3A_690, %select_n3A_684 : vector<16xi1>, vector<16xf32>
      %select_n3A_888 = arith.select %gt3A_882, %select_n3A_695, %select_n3A_689 : vector<16xi1>, vector<16xi32>
      %gt3A_889 = arith.cmpf ogt, %select_n3A_887, %select_n3A_885 : vector<16xf32>
      %select_n3A_890 = arith.select %gt3A_889, %select_n3A_887, %select_n3A_885 : vector<16xi1>, vector<16xf32>
      %select_n3A_891 = arith.select %gt3A_889, %select_n3A_888, %select_n3A_886 : vector<16xi1>, vector<16xi32>
      %gt3A_892 = arith.cmpf ogt, %select_n3A_730, %select_n3A_707 : vector<16xf32>
      %select_n3A_893 = arith.select %gt3A_892, %select_n3A_730, %select_n3A_707 : vector<16xi1>, vector<16xf32>
      %select_n3A_894 = arith.select %gt3A_892, %select_n3A_735, %select_n3A_712 : vector<16xi1>, vector<16xi32>
      %select_n3A_895 = arith.select %gt3A_892, %select_n3A_707, %select_n3A_713 : vector<16xi1>, vector<16xf32>
      %select_n3A_896 = arith.select %gt3A_892, %select_n3A_712, %select_n3A_718 : vector<16xi1>, vector<16xi32>
      %select_n3A_897 = arith.select %gt3A_892, %select_n3A_736, %select_n3A_730 : vector<16xi1>, vector<16xf32>
      %select_n3A_898 = arith.select %gt3A_892, %select_n3A_741, %select_n3A_735 : vector<16xi1>, vector<16xi32>
      %gt3A_899 = arith.cmpf ogt, %select_n3A_897, %select_n3A_895 : vector<16xf32>
      %select_n3A_900 = arith.select %gt3A_899, %select_n3A_897, %select_n3A_895 : vector<16xi1>, vector<16xf32>
      %select_n3A_901 = arith.select %gt3A_899, %select_n3A_898, %select_n3A_896 : vector<16xi1>, vector<16xi32>
      %gt3A_902 = arith.cmpf ogt, %select_n3A_753, %select_n3A_743 : vector<16xf32>
      %select_n3A_903 = arith.select %gt3A_902, %select_n3A_753, %select_n3A_743 : vector<16xi1>, vector<16xf32>
      %select_n3A_904 = arith.select %gt3A_902, %select_n3A_754, %select_n3A_744 : vector<16xi1>, vector<16xi32>
      %select_n3A_905 = arith.select %gt3A_902, %select_n3A_743, %select_n3A_750 : vector<16xi1>, vector<16xf32>
      %select_n3A_906 = arith.select %gt3A_902, %select_n3A_744, %select_n3A_751 : vector<16xi1>, vector<16xi32>
      %select_n3A_907 = arith.select %gt3A_902, %select_n3A_760, %select_n3A_753 : vector<16xi1>, vector<16xf32>
      %select_n3A_908 = arith.select %gt3A_902, %select_n3A_761, %select_n3A_754 : vector<16xi1>, vector<16xi32>
      %gt3A_909 = arith.cmpf ogt, %select_n3A_907, %select_n3A_905 : vector<16xf32>
      %select_n3A_910 = arith.select %gt3A_909, %select_n3A_907, %select_n3A_905 : vector<16xi1>, vector<16xf32>
      %select_n3A_911 = arith.select %gt3A_909, %select_n3A_908, %select_n3A_906 : vector<16xi1>, vector<16xi32>
      %gt3A_912 = arith.cmpf ogt, %select_n3A_773, %select_n3A_763 : vector<16xf32>
      %select_n3A_913 = arith.select %gt3A_912, %select_n3A_773, %select_n3A_763 : vector<16xi1>, vector<16xf32>
      %select_n3A_914 = arith.select %gt3A_912, %select_n3A_774, %select_n3A_764 : vector<16xi1>, vector<16xi32>
      %select_n3A_915 = arith.select %gt3A_912, %select_n3A_763, %select_n3A_770 : vector<16xi1>, vector<16xf32>
      %select_n3A_916 = arith.select %gt3A_912, %select_n3A_764, %select_n3A_771 : vector<16xi1>, vector<16xi32>
      %select_n3A_917 = arith.select %gt3A_912, %select_n3A_780, %select_n3A_773 : vector<16xi1>, vector<16xf32>
      %select_n3A_918 = arith.select %gt3A_912, %select_n3A_781, %select_n3A_774 : vector<16xi1>, vector<16xi32>
      %gt3A_919 = arith.cmpf ogt, %select_n3A_917, %select_n3A_915 : vector<16xf32>
      %select_n3A_920 = arith.select %gt3A_919, %select_n3A_917, %select_n3A_915 : vector<16xi1>, vector<16xf32>
      %select_n3A_921 = arith.select %gt3A_919, %select_n3A_918, %select_n3A_916 : vector<16xi1>, vector<16xi32>
      %gt3A_922 = arith.cmpf ogt, %select_n3A_793, %select_n3A_783 : vector<16xf32>
      %select_n3A_923 = arith.select %gt3A_922, %select_n3A_793, %select_n3A_783 : vector<16xi1>, vector<16xf32>
      %select_n3A_924 = arith.select %gt3A_922, %select_n3A_794, %select_n3A_784 : vector<16xi1>, vector<16xi32>
      %select_n3A_925 = arith.select %gt3A_922, %select_n3A_783, %select_n3A_790 : vector<16xi1>, vector<16xf32>
      %select_n3A_926 = arith.select %gt3A_922, %select_n3A_784, %select_n3A_791 : vector<16xi1>, vector<16xi32>
      %select_n3A_927 = arith.select %gt3A_922, %select_n3A_800, %select_n3A_793 : vector<16xi1>, vector<16xf32>
      %select_n3A_928 = arith.select %gt3A_922, %select_n3A_801, %select_n3A_794 : vector<16xi1>, vector<16xi32>
      %gt3A_929 = arith.cmpf ogt, %select_n3A_927, %select_n3A_925 : vector<16xf32>
      %select_n3A_930 = arith.select %gt3A_929, %select_n3A_927, %select_n3A_925 : vector<16xi1>, vector<16xf32>
      %select_n3A_931 = arith.select %gt3A_929, %select_n3A_928, %select_n3A_926 : vector<16xi1>, vector<16xi32>
      %gt3A_932 = arith.cmpf ogt, %select_n3A_813, %select_n3A_803 : vector<16xf32>
      %select_n3A_933 = arith.select %gt3A_932, %select_n3A_813, %select_n3A_803 : vector<16xi1>, vector<16xf32>
      %select_n3A_934 = arith.select %gt3A_932, %select_n3A_814, %select_n3A_804 : vector<16xi1>, vector<16xi32>
      %select_n3A_935 = arith.select %gt3A_932, %select_n3A_803, %select_n3A_810 : vector<16xi1>, vector<16xf32>
      %select_n3A_936 = arith.select %gt3A_932, %select_n3A_804, %select_n3A_811 : vector<16xi1>, vector<16xi32>
      %select_n3A_937 = arith.select %gt3A_932, %select_n3A_820, %select_n3A_813 : vector<16xi1>, vector<16xf32>
      %select_n3A_938 = arith.select %gt3A_932, %select_n3A_821, %select_n3A_814 : vector<16xi1>, vector<16xi32>
      %gt3A_939 = arith.cmpf ogt, %select_n3A_937, %select_n3A_935 : vector<16xf32>
      %select_n3A_940 = arith.select %gt3A_939, %select_n3A_937, %select_n3A_935 : vector<16xi1>, vector<16xf32>
      %select_n3A_941 = arith.select %gt3A_939, %select_n3A_938, %select_n3A_936 : vector<16xi1>, vector<16xi32>
      %gt3A_942 = arith.cmpf ogt, %select_n3A_833, %select_n3A_823 : vector<16xf32>
      %select_n3A_943 = arith.select %gt3A_942, %select_n3A_833, %select_n3A_823 : vector<16xi1>, vector<16xf32>
      %select_n3A_944 = arith.select %gt3A_942, %select_n3A_834, %select_n3A_824 : vector<16xi1>, vector<16xi32>
      %select_n3A_945 = arith.select %gt3A_942, %select_n3A_823, %select_n3A_830 : vector<16xi1>, vector<16xf32>
      %select_n3A_946 = arith.select %gt3A_942, %select_n3A_824, %select_n3A_831 : vector<16xi1>, vector<16xi32>
      %select_n3A_947 = arith.select %gt3A_942, %select_n3A_840, %select_n3A_833 : vector<16xi1>, vector<16xf32>
      %select_n3A_948 = arith.select %gt3A_942, %select_n3A_841, %select_n3A_834 : vector<16xi1>, vector<16xi32>
      %gt3A_949 = arith.cmpf ogt, %select_n3A_947, %select_n3A_945 : vector<16xf32>
      %select_n3A_950 = arith.select %gt3A_949, %select_n3A_947, %select_n3A_945 : vector<16xi1>, vector<16xf32>
      %select_n3A_951 = arith.select %gt3A_949, %select_n3A_948, %select_n3A_946 : vector<16xi1>, vector<16xi32>
      %gt3A_952 = arith.cmpf ogt, %select_n3A_853, %select_n3A_843 : vector<16xf32>
      %select_n3A_953 = arith.select %gt3A_952, %select_n3A_853, %select_n3A_843 : vector<16xi1>, vector<16xf32>
      %select_n3A_954 = arith.select %gt3A_952, %select_n3A_854, %select_n3A_844 : vector<16xi1>, vector<16xi32>
      %select_n3A_955 = arith.select %gt3A_952, %select_n3A_843, %select_n3A_850 : vector<16xi1>, vector<16xf32>
      %select_n3A_956 = arith.select %gt3A_952, %select_n3A_844, %select_n3A_851 : vector<16xi1>, vector<16xi32>
      %select_n3A_957 = arith.select %gt3A_952, %select_n3A_860, %select_n3A_853 : vector<16xi1>, vector<16xf32>
      %select_n3A_958 = arith.select %gt3A_952, %select_n3A_861, %select_n3A_854 : vector<16xi1>, vector<16xi32>
      %gt3A_959 = arith.cmpf ogt, %select_n3A_957, %select_n3A_955 : vector<16xf32>
      %select_n3A_960 = arith.select %gt3A_959, %select_n3A_957, %select_n3A_955 : vector<16xi1>, vector<16xf32>
      %select_n3A_961 = arith.select %gt3A_959, %select_n3A_958, %select_n3A_956 : vector<16xi1>, vector<16xi32>
      %gt3A_962 = arith.cmpf ogt, %select_n3A_873, %select_n3A_863 : vector<16xf32>
      %select_n3A_963 = arith.select %gt3A_962, %select_n3A_873, %select_n3A_863 : vector<16xi1>, vector<16xf32>
      %select_n3A_964 = arith.select %gt3A_962, %select_n3A_874, %select_n3A_864 : vector<16xi1>, vector<16xi32>
      %select_n3A_965 = arith.select %gt3A_962, %select_n3A_863, %select_n3A_870 : vector<16xi1>, vector<16xf32>
      %select_n3A_966 = arith.select %gt3A_962, %select_n3A_864, %select_n3A_871 : vector<16xi1>, vector<16xi32>
      %select_n3A_967 = arith.select %gt3A_962, %select_n3A_880, %select_n3A_873 : vector<16xi1>, vector<16xf32>
      %select_n3A_968 = arith.select %gt3A_962, %select_n3A_881, %select_n3A_874 : vector<16xi1>, vector<16xi32>
      %gt3A_969 = arith.cmpf ogt, %select_n3A_967, %select_n3A_965 : vector<16xf32>
      %select_n3A_970 = arith.select %gt3A_969, %select_n3A_967, %select_n3A_965 : vector<16xi1>, vector<16xf32>
      %select_n3A_971 = arith.select %gt3A_969, %select_n3A_968, %select_n3A_966 : vector<16xi1>, vector<16xi32>
      %gt3A_972 = arith.cmpf ogt, %select_n3A_893, %select_n3A_883 : vector<16xf32>
      %select_n3A_973 = arith.select %gt3A_972, %select_n3A_893, %select_n3A_883 : vector<16xi1>, vector<16xf32>
      %select_n3A_974 = arith.select %gt3A_972, %select_n3A_894, %select_n3A_884 : vector<16xi1>, vector<16xi32>
      %select_n3A_975 = arith.select %gt3A_972, %select_n3A_883, %select_n3A_890 : vector<16xi1>, vector<16xf32>
      %select_n3A_976 = arith.select %gt3A_972, %select_n3A_884, %select_n3A_891 : vector<16xi1>, vector<16xi32>
      %select_n3A_977 = arith.select %gt3A_972, %select_n3A_900, %select_n3A_893 : vector<16xi1>, vector<16xf32>
      %select_n3A_978 = arith.select %gt3A_972, %select_n3A_901, %select_n3A_894 : vector<16xi1>, vector<16xi32>
      %gt3A_979 = arith.cmpf ogt, %select_n3A_977, %select_n3A_975 : vector<16xf32>
      %select_n3A_980 = arith.select %gt3A_979, %select_n3A_977, %select_n3A_975 : vector<16xi1>, vector<16xf32>
      %select_n3A_981 = arith.select %gt3A_979, %select_n3A_978, %select_n3A_976 : vector<16xi1>, vector<16xi32>
      %gt3A_982 = arith.cmpf ogt, %select_n3A_913, %select_n3A_903 : vector<16xf32>
      %select_n3A_983 = arith.select %gt3A_982, %select_n3A_913, %select_n3A_903 : vector<16xi1>, vector<16xf32>
      %select_n3A_984 = arith.select %gt3A_982, %select_n3A_914, %select_n3A_904 : vector<16xi1>, vector<16xi32>
      %select_n3A_985 = arith.select %gt3A_982, %select_n3A_903, %select_n3A_910 : vector<16xi1>, vector<16xf32>
      %select_n3A_986 = arith.select %gt3A_982, %select_n3A_904, %select_n3A_911 : vector<16xi1>, vector<16xi32>
      %select_n3A_987 = arith.select %gt3A_982, %select_n3A_920, %select_n3A_913 : vector<16xi1>, vector<16xf32>
      %select_n3A_988 = arith.select %gt3A_982, %select_n3A_921, %select_n3A_914 : vector<16xi1>, vector<16xi32>
      %gt3A_989 = arith.cmpf ogt, %select_n3A_987, %select_n3A_985 : vector<16xf32>
      %select_n3A_990 = arith.select %gt3A_989, %select_n3A_987, %select_n3A_985 : vector<16xi1>, vector<16xf32>
      %select_n3A_991 = arith.select %gt3A_989, %select_n3A_988, %select_n3A_986 : vector<16xi1>, vector<16xi32>
      %gt3A_992 = arith.cmpf ogt, %select_n3A_933, %select_n3A_923 : vector<16xf32>
      %select_n3A_993 = arith.select %gt3A_992, %select_n3A_933, %select_n3A_923 : vector<16xi1>, vector<16xf32>
      %select_n3A_994 = arith.select %gt3A_992, %select_n3A_934, %select_n3A_924 : vector<16xi1>, vector<16xi32>
      %select_n3A_995 = arith.select %gt3A_992, %select_n3A_923, %select_n3A_930 : vector<16xi1>, vector<16xf32>
      %select_n3A_996 = arith.select %gt3A_992, %select_n3A_924, %select_n3A_931 : vector<16xi1>, vector<16xi32>
      %select_n3A_997 = arith.select %gt3A_992, %select_n3A_940, %select_n3A_933 : vector<16xi1>, vector<16xf32>
      %select_n3A_998 = arith.select %gt3A_992, %select_n3A_941, %select_n3A_934 : vector<16xi1>, vector<16xi32>
      %gt3A_999 = arith.cmpf ogt, %select_n3A_997, %select_n3A_995 : vector<16xf32>
      %select_n3A_1000 = arith.select %gt3A_999, %select_n3A_997, %select_n3A_995 : vector<16xi1>, vector<16xf32>
      %select_n3A_1001 = arith.select %gt3A_999, %select_n3A_998, %select_n3A_996 : vector<16xi1>, vector<16xi32>
      %gt3A_1002 = arith.cmpf ogt, %select_n3A_953, %select_n3A_943 : vector<16xf32>
      %select_n3A_1003 = arith.select %gt3A_1002, %select_n3A_953, %select_n3A_943 : vector<16xi1>, vector<16xf32>
      %select_n3A_1004 = arith.select %gt3A_1002, %select_n3A_954, %select_n3A_944 : vector<16xi1>, vector<16xi32>
      %select_n3A_1005 = arith.select %gt3A_1002, %select_n3A_943, %select_n3A_950 : vector<16xi1>, vector<16xf32>
      %select_n3A_1006 = arith.select %gt3A_1002, %select_n3A_944, %select_n3A_951 : vector<16xi1>, vector<16xi32>
      %select_n3A_1007 = arith.select %gt3A_1002, %select_n3A_960, %select_n3A_953 : vector<16xi1>, vector<16xf32>
      %select_n3A_1008 = arith.select %gt3A_1002, %select_n3A_961, %select_n3A_954 : vector<16xi1>, vector<16xi32>
      %gt3A_1009 = arith.cmpf ogt, %select_n3A_1007, %select_n3A_1005 : vector<16xf32>
      %select_n3A_1010 = arith.select %gt3A_1009, %select_n3A_1007, %select_n3A_1005 : vector<16xi1>, vector<16xf32>
      %select_n3A_1011 = arith.select %gt3A_1009, %select_n3A_1008, %select_n3A_1006 : vector<16xi1>, vector<16xi32>
      %gt3A_1012 = arith.cmpf ogt, %select_n3A_973, %select_n3A_963 : vector<16xf32>
      %select_n3A_1013 = arith.select %gt3A_1012, %select_n3A_973, %select_n3A_963 : vector<16xi1>, vector<16xf32>
      %select_n3A_1014 = arith.select %gt3A_1012, %select_n3A_974, %select_n3A_964 : vector<16xi1>, vector<16xi32>
      %select_n3A_1015 = arith.select %gt3A_1012, %select_n3A_963, %select_n3A_970 : vector<16xi1>, vector<16xf32>
      %select_n3A_1016 = arith.select %gt3A_1012, %select_n3A_964, %select_n3A_971 : vector<16xi1>, vector<16xi32>
      %select_n3A_1017 = arith.select %gt3A_1012, %select_n3A_980, %select_n3A_973 : vector<16xi1>, vector<16xf32>
      %select_n3A_1018 = arith.select %gt3A_1012, %select_n3A_981, %select_n3A_974 : vector<16xi1>, vector<16xi32>
      %gt3A_1019 = arith.cmpf ogt, %select_n3A_1017, %select_n3A_1015 : vector<16xf32>
      %select_n3A_1020 = arith.select %gt3A_1019, %select_n3A_1017, %select_n3A_1015 : vector<16xi1>, vector<16xf32>
      %select_n3A_1021 = arith.select %gt3A_1019, %select_n3A_1018, %select_n3A_1016 : vector<16xi1>, vector<16xi32>
      %gt3A_1022 = arith.cmpf ogt, %select_n3A_993, %select_n3A_983 : vector<16xf32>
      %select_n3A_1023 = arith.select %gt3A_1022, %select_n3A_993, %select_n3A_983 : vector<16xi1>, vector<16xf32>
      %select_n3A_1024 = arith.select %gt3A_1022, %select_n3A_994, %select_n3A_984 : vector<16xi1>, vector<16xi32>
      %select_n3A_1025 = arith.select %gt3A_1022, %select_n3A_983, %select_n3A_990 : vector<16xi1>, vector<16xf32>
      %select_n3A_1026 = arith.select %gt3A_1022, %select_n3A_984, %select_n3A_991 : vector<16xi1>, vector<16xi32>
      %select_n3A_1027 = arith.select %gt3A_1022, %select_n3A_1000, %select_n3A_993 : vector<16xi1>, vector<16xf32>
      %select_n3A_1028 = arith.select %gt3A_1022, %select_n3A_1001, %select_n3A_994 : vector<16xi1>, vector<16xi32>
      %gt3A_1029 = arith.cmpf ogt, %select_n3A_1027, %select_n3A_1025 : vector<16xf32>
      %select_n3A_1030 = arith.select %gt3A_1029, %select_n3A_1027, %select_n3A_1025 : vector<16xi1>, vector<16xf32>
      %select_n3A_1031 = arith.select %gt3A_1029, %select_n3A_1028, %select_n3A_1026 : vector<16xi1>, vector<16xi32>
      %gt3A_1032 = arith.cmpf ogt, %select_n3A_1013, %select_n3A_1003 : vector<16xf32>
      %select_n3A_1033 = arith.select %gt3A_1032, %select_n3A_1013, %select_n3A_1003 : vector<16xi1>, vector<16xf32>
      %select_n3A_1034 = arith.select %gt3A_1032, %select_n3A_1014, %select_n3A_1004 : vector<16xi1>, vector<16xi32>
      %select_n3A_1035 = arith.select %gt3A_1032, %select_n3A_1003, %select_n3A_1010 : vector<16xi1>, vector<16xf32>
      %select_n3A_1036 = arith.select %gt3A_1032, %select_n3A_1004, %select_n3A_1011 : vector<16xi1>, vector<16xi32>
      %select_n3A_1037 = arith.select %gt3A_1032, %select_n3A_1020, %select_n3A_1013 : vector<16xi1>, vector<16xf32>
      %select_n3A_1038 = arith.select %gt3A_1032, %select_n3A_1021, %select_n3A_1014 : vector<16xi1>, vector<16xi32>
      %gt3A_1039 = arith.cmpf ogt, %select_n3A_1037, %select_n3A_1035 : vector<16xf32>
      %select_n3A_1040 = arith.select %gt3A_1039, %select_n3A_1037, %select_n3A_1035 : vector<16xi1>, vector<16xf32>
      %select_n3A_1041 = arith.select %gt3A_1039, %select_n3A_1038, %select_n3A_1036 : vector<16xi1>, vector<16xi32>
      %gt3A_1042 = arith.cmpf ogt, %select_n3A_1033, %select_n3A_1023 : vector<16xf32>
      %select_n3A_1043 = arith.select %gt3A_1042, %select_n3A_1033, %select_n3A_1023 : vector<16xi1>, vector<16xf32>
      %select_n3A_1044 = arith.select %gt3A_1042, %select_n3A_1034, %select_n3A_1024 : vector<16xi1>, vector<16xi32>
      %select_n3A_1045 = arith.select %gt3A_1042, %select_n3A_1023, %select_n3A_1030 : vector<16xi1>, vector<16xf32>
      %select_n3A_1046 = arith.select %gt3A_1042, %select_n3A_1024, %select_n3A_1031 : vector<16xi1>, vector<16xi32>
      %select_n3A_1047 = arith.select %gt3A_1042, %select_n3A_1040, %select_n3A_1033 : vector<16xi1>, vector<16xf32>
      %select_n3A_1048 = arith.select %gt3A_1042, %select_n3A_1041, %select_n3A_1034 : vector<16xi1>, vector<16xi32>
      %gt3A_1049 = arith.cmpf ogt, %select_n3A_1047, %select_n3A_1045 : vector<16xf32>
      %select_n3A_1050 = arith.select %gt3A_1049, %select_n3A_1047, %select_n3A_1045 : vector<16xi1>, vector<16xf32>
      %select_n3A_1051 = arith.select %gt3A_1049, %select_n3A_1048, %select_n3A_1046 : vector<16xi1>, vector<16xi32>
      %add3A_1052 = arith.addf %select_n3A_1043, %select_n3A_1050 : vector<16xf32>
      %add3A_1053 = arith.constant 9.99999993E-9 : f32
      %add3A_1054 = vector.broadcast %add3A_1053 : f32 to vector<16xf32>
      %add3A_1055 = arith.addf %add3A_1052, %add3A_1054 : vector<16xf32>
      %div3A = arith.divf %select_n3A_1043, %add3A_1055 : vector<16xf32>
      %swap3A = arith.index_cast %mul3A_10 : i32 to index
      %swap3A_1056 = tpu.vector_load %arg8[%swap3A] {strides = array<i32>} : memref<512xf32, #tpu.memory_space<vmem>>, vector<16xf32>,
      %swap3A_1057 = vector.shape_cast %swap3A_1056 : vector<16xf32> to vector<16xf32>
      %swap3A_1058 = vector.shape_cast %div3A : vector<16xf32> to vector<16xf32>
      tpu.vector_store %arg8[%swap3A], %swap3A_1058 {strides = array<i32>} : memref<512xf32, #tpu.memory_space<vmem>>, vector<16xf32>,
      %div3A_1059 = arith.divf %select_n3A_1050, %add3A_1055 : vector<16xf32>
      %swap3A_1060 = arith.index_cast %mul3A_10 : i32 to index
      %swap3A_1061 = tpu.vector_load %arg9[%swap3A_1060] {strides = array<i32>} : memref<512xf32, #tpu.memory_space<vmem>>, vector<16xf32>,
      %swap3A_1062 = vector.shape_cast %swap3A_1061 : vector<16xf32> to vector<16xf32>
      %swap3A_1063 = vector.shape_cast %div3A_1059 : vector<16xf32> to vector<16xf32>
      tpu.vector_store %arg9[%swap3A_1060], %swap3A_1063 {strides = array<i32>} : memref<512xf32, #tpu.memory_space<vmem>>, vector<16xf32>,
      %swap3A_1064 = arith.index_cast %mul3A_10 : i32 to index
      %swap3A_1065 = tpu.vector_load %arg10[%swap3A_1064] {strides = array<i32>} : memref<512xi32, #tpu.memory_space<vmem>>, vector<16xi32>,
      %swap3A_1066 = vector.shape_cast %swap3A_1065 : vector<16xi32> to vector<16xi32>
      %swap3A_1067 = vector.shape_cast %select_n3A_1044 : vector<16xi32> to vector<16xi32>
      tpu.vector_store %arg10[%swap3A_1064], %swap3A_1067 {strides = array<i32>} : memref<512xi32, #tpu.memory_space<vmem>>, vector<16xi32>,
      %swap3A_1068 = arith.index_cast %mul3A_10 : i32 to index
      %swap3A_1069 = tpu.vector_load %arg11[%swap3A_1068] {strides = array<i32>} : memref<512xi32, #tpu.memory_space<vmem>>, vector<16xi32>,
      %swap3A_1070 = vector.shape_cast %swap3A_1069 : vector<16xi32> to vector<16xi32>
      %swap3A_1071 = vector.shape_cast %select_n3A_1051 : vector<16xi32> to vector<16xi32>
      tpu.vector_store %arg11[%swap3A_1068], %swap3A_1071 {strides = array<i32>} : memref<512xi32, #tpu.memory_space<vmem>>, vector<16xi32>,
    }
    %scan3A_7 = arith.constant 32 : i32
    "tpu.region"() ({
      %run_scoped3A = tpu.sem_alloc : memref<!tpu.dma_semaphore, #tpu.memory_space<semaphore_mem>>
      %dma_start3A = tpu.memref_slice %arg3[%mul3A_2] : memref<16384xf32, #tpu.memory_space<hbm>> -> memref<512xf32, #tpu.memory_space<hbm>>
      %dma_start3A_8 = tpu.memref_slice %arg3[%mul3A_2] : memref<16384xf32, #tpu.memory_space<hbm>> -> memref<512xf32, #tpu.memory_space<hbm>>
      tpu.enqueue_dma source(%arg8 : memref<512xf32, #tpu.memory_space<vmem>>) target(%dma_start3A_8 : memref<512xf32, #tpu.memory_space<hbm>>) target_semaphore(%run_scoped3A : memref<!tpu.dma_semaphore, #tpu.memory_space<semaphore_mem>>)
      %dma_wait3A = tpu.memref_slice %arg3[%mul3A_2] : memref<16384xf32, #tpu.memory_space<hbm>> -> memref<512xf32, #tpu.memory_space<hbm>>
      %dma_wait3A_9 = tpu.memref_slice %arg3[%mul3A_2] : memref<16384xf32, #tpu.memory_space<hbm>> -> memref<512xf32, #tpu.memory_space<hbm>>
      tpu.wait_dma2 semaphore(%run_scoped3A : memref<!tpu.dma_semaphore, #tpu.memory_space<semaphore_mem>>) src(%arg8 : memref<512xf32, #tpu.memory_space<vmem>>) dst(%dma_wait3A_9 : memref<512xf32, #tpu.memory_space<hbm>>)
      tpu.yield
    }) : () -> ()
    "tpu.region"() ({
      %run_scoped3A = tpu.sem_alloc : memref<!tpu.dma_semaphore, #tpu.memory_space<semaphore_mem>>
      %dma_start3A = tpu.memref_slice %arg4[%mul3A_2] : memref<16384xf32, #tpu.memory_space<hbm>> -> memref<512xf32, #tpu.memory_space<hbm>>
      %dma_start3A_8 = tpu.memref_slice %arg4[%mul3A_2] : memref<16384xf32, #tpu.memory_space<hbm>> -> memref<512xf32, #tpu.memory_space<hbm>>
      tpu.enqueue_dma source(%arg9 : memref<512xf32, #tpu.memory_space<vmem>>) target(%dma_start3A_8 : memref<512xf32, #tpu.memory_space<hbm>>) target_semaphore(%run_scoped3A : memref<!tpu.dma_semaphore, #tpu.memory_space<semaphore_mem>>)
      %dma_wait3A = tpu.memref_slice %arg4[%mul3A_2] : memref<16384xf32, #tpu.memory_space<hbm>> -> memref<512xf32, #tpu.memory_space<hbm>>
      %dma_wait3A_9 = tpu.memref_slice %arg4[%mul3A_2] : memref<16384xf32, #tpu.memory_space<hbm>> -> memref<512xf32, #tpu.memory_space<hbm>>
      tpu.wait_dma2 semaphore(%run_scoped3A : memref<!tpu.dma_semaphore, #tpu.memory_space<semaphore_mem>>) src(%arg9 : memref<512xf32, #tpu.memory_space<vmem>>) dst(%dma_wait3A_9 : memref<512xf32, #tpu.memory_space<hbm>>)
      tpu.yield
    }) : () -> ()
    "tpu.region"() ({
      %run_scoped3A = tpu.sem_alloc : memref<!tpu.dma_semaphore, #tpu.memory_space<semaphore_mem>>
      %dma_start3A = tpu.memref_slice %arg5[%mul3A_2] : memref<16384xi32, #tpu.memory_space<hbm>> -> memref<512xi32, #tpu.memory_space<hbm>>
      %dma_start3A_8 = tpu.memref_slice %arg5[%mul3A_2] : memref<16384xi32, #tpu.memory_space<hbm>> -> memref<512xi32, #tpu.memory_space<hbm>>
      tpu.enqueue_dma source(%arg10 : memref<512xi32, #tpu.memory_space<vmem>>) target(%dma_start3A_8 : memref<512xi32, #tpu.memory_space<hbm>>) target_semaphore(%run_scoped3A : memref<!tpu.dma_semaphore, #tpu.memory_space<semaphore_mem>>)
      %dma_wait3A = tpu.memref_slice %arg5[%mul3A_2] : memref<16384xi32, #tpu.memory_space<hbm>> -> memref<512xi32, #tpu.memory_space<hbm>>
      %dma_wait3A_9 = tpu.memref_slice %arg5[%mul3A_2] : memref<16384xi32, #tpu.memory_space<hbm>> -> memref<512xi32, #tpu.memory_space<hbm>>
      tpu.wait_dma2 semaphore(%run_scoped3A : memref<!tpu.dma_semaphore, #tpu.memory_space<semaphore_mem>>) src(%arg10 : memref<512xi32, #tpu.memory_space<vmem>>) dst(%dma_wait3A_9 : memref<512xi32, #tpu.memory_space<hbm>>)
      tpu.yield
    }) : () -> ()
    "tpu.region"() ({
      %run_scoped3A = tpu.sem_alloc : memref<!tpu.dma_semaphore, #tpu.memory_space<semaphore_mem>>
      %dma_start3A = tpu.memref_slice %arg6[%mul3A_2] : memref<16384xi32, #tpu.memory_space<hbm>> -> memref<512xi32, #tpu.memory_space<hbm>>
      %dma_start3A_8 = tpu.memref_slice %arg6[%mul3A_2] : memref<16384xi32, #tpu.memory_space<hbm>> -> memref<512xi32, #tpu.memory_space<hbm>>
      tpu.enqueue_dma source(%arg11 : memref<512xi32, #tpu.memory_space<vmem>>) target(%dma_start3A_8 : memref<512xi32, #tpu.memory_space<hbm>>) target_semaphore(%run_scoped3A : memref<!tpu.dma_semaphore, #tpu.memory_space<semaphore_mem>>)
      %dma_wait3A = tpu.memref_slice %arg6[%mul3A_2] : memref<16384xi32, #tpu.memory_space<hbm>> -> memref<512xi32, #tpu.memory_space<hbm>>
      %dma_wait3A_9 = tpu.memref_slice %arg6[%mul3A_2] : memref<16384xi32, #tpu.memory_space<hbm>> -> memref<512xi32, #tpu.memory_space<hbm>>
      tpu.wait_dma2 semaphore(%run_scoped3A : memref<!tpu.dma_semaphore, #tpu.memory_space<semaphore_mem>>) src(%arg11 : memref<512xi32, #tpu.memory_space<vmem>>) dst(%dma_wait3A_9 : memref<512xi32, #tpu.memory_space<hbm>>)
      tpu.yield
    }) : () -> ()
    return
  }
}

module attributes {stable_mosaic.version = 14 : i64} {
  func.func @_tc_body(%arg0: i32, %arg1: memref<1024x2048xf32, #tpu.memory_space<vmem>>, %arg2: memref<64x2048xf32, #tpu.memory_space<vmem>>, %arg3: memref<64x1xf32, #tpu.memory_space<vmem>>, %arg4: memref<2x64x512xf32, #tpu.memory_space<vmem>>, %arg5: memref<64x128xf32, #tpu.memory_space<vmem>>) attributes {dimension_semantics = [#tpu.dimension_semantics<arbitrary>], iteration_bounds = array<i64: 16>, scalar_prefetch = 0 : i64, scratch_operands = 0 : i64, tpu.core_type = #tpu.core_type<tc>, window_params = [{transform_indices = @transform_0, window_bounds = array<i64: 1024, 2048>}, {pipeline_mode = #tpu.pipeline_mode<synchronous>, transform_indices = @transform_1, window_bounds = array<i64: 64, 2048>}, {pipeline_mode = #tpu.pipeline_mode<synchronous>, transform_indices = @transform_2, window_bounds = array<i64: 64, 1>}, {transform_indices = @transform_3, window_bounds = array<i64: 2, 64, 512>}, {pipeline_mode = #tpu.pipeline_mode<synchronous>, transform_indices = @transform_4, window_bounds = array<i64: 64, 128>}]} {
    %get3A = arith.constant 0 : index
    %get3A_0 = arith.constant 0 : index
    %get3A_1 = vector.load %arg2[%get3A, %get3A_0] : memref<64x2048xf32, #tpu.memory_space<vmem>>, vector<64x2048xf32>
    %get3A_2 = arith.constant 0 : index
    %get3A_3 = arith.constant 0 : index
    %get3A_4 = vector.load %arg1[%get3A_2, %get3A_3] : memref<1024x2048xf32, #tpu.memory_space<vmem>>, vector<1024x2048xf32>
    %dot_general3A = arith.constant dense<0.000000e+00> : vector<64x1024xf32>
    %dot_general3A_5 = tpu.matmul %get3A_1, %get3A_4, %dot_general3A {dimension_numbers = #tpu.dot_dimension_numbers<[1], [1], [0], [0], [0, 0, 1, 0], [], []>, transpose_lhs_hint = false} : vector<64x2048xf32>, vector<1024x2048xf32>, vector<64x1024xf32> -> vector<64x1024xf32>
    %get3A_6 = arith.constant 0 : index
    %get3A_7 = arith.constant 0 : index
    %get3A_8 = vector.load %arg3[%get3A_6, %get3A_7] : memref<64x1xf32, #tpu.memory_space<vmem>>, vector<64x1xf32>
    %add3A = vector.broadcast %get3A_8 : vector<64x1xf32> to vector<64x1024xf32>
    %add3A_9 = arith.addf %dot_general3A_5, %add3A : vector<64x1024xf32>
    %reduce_max3A = arith.constant dense<0xFF800000> : vector<1024xf32>
    %reduce_max3A_10 = vector.multi_reduction <maximumf>, %add3A_9, %reduce_max3A [0] : vector<64x1024xf32> to vector<1024xf32>
    %broadcast_in_dim3A = vector.shape_cast %reduce_max3A_10 : vector<1024xf32> to vector<1x1024xf32>
    %sub3A = vector.broadcast %broadcast_in_dim3A : vector<1x1024xf32> to vector<64x1024xf32>
    %sub3A_11 = arith.subf %add3A_9, %sub3A : vector<64x1024xf32>
    %exp3A = math.exp %sub3A_11 : vector<64x1024xf32>
    %reduce_sum3A = arith.constant dense<0.000000e+00> : vector<1024xf32>
    %reduce_sum3A_12 = vector.multi_reduction <add>, %exp3A, %reduce_sum3A [0] : vector<64x1024xf32> to vector<1024xf32>
    %broadcast_in_dim3A_13 = vector.shape_cast %reduce_sum3A_12 : vector<1024xf32> to vector<1x1024xf32>
    %div3A = vector.broadcast %broadcast_in_dim3A_13 : vector<1x1024xf32> to vector<64x1024xf32>
    %div3A_14 = arith.divf %exp3A, %div3A : vector<64x1024xf32>
    %slice3A = vector.extract_strided_slice %div3A_14 {offsets = [0, 0], sizes = [64, 512], strides = [1, 1]} : vector<64x1024xf32> to vector<64x512xf32>
    %swap3A = arith.constant 0 : index
    %swap3A_15 = arith.constant 0 : index
    %swap3A_16 = arith.constant 0 : index
    %swap3A_17 = vector.load %arg4[%swap3A, %swap3A_15, %swap3A_16] : memref<2x64x512xf32, #tpu.memory_space<vmem>>, vector<1x64x512xf32>
    %swap3A_18 = vector.shape_cast %swap3A_17 : vector<1x64x512xf32> to vector<64x512xf32>
    %swap3A_19 = vector.shape_cast %slice3A : vector<64x512xf32> to vector<1x64x512xf32>
    tpu.vector_store %arg4[%swap3A, %swap3A_15, %swap3A_16], %swap3A_19 {strides = array<i32>} : memref<2x64x512xf32, #tpu.memory_space<vmem>>, vector<1x64x512xf32>,
    %slice3A_20 = vector.extract_strided_slice %div3A_14 {offsets = [0, 512], sizes = [64, 512], strides = [1, 1]} : vector<64x1024xf32> to vector<64x512xf32>
    %swap3A_21 = arith.constant 1 : index
    %swap3A_22 = arith.constant 0 : index
    %swap3A_23 = arith.constant 0 : index
    %swap3A_24 = vector.load %arg4[%swap3A_21, %swap3A_22, %swap3A_23] : memref<2x64x512xf32, #tpu.memory_space<vmem>>, vector<1x64x512xf32>
    %swap3A_25 = vector.shape_cast %swap3A_24 : vector<1x64x512xf32> to vector<64x512xf32>
    %swap3A_26 = vector.shape_cast %slice3A_20 : vector<64x512xf32> to vector<1x64x512xf32>
    tpu.vector_store %arg4[%swap3A_21, %swap3A_22, %swap3A_23], %swap3A_26 {strides = array<i32>} : memref<2x64x512xf32, #tpu.memory_space<vmem>>, vector<1x64x512xf32>,
    %eq3A = arith.constant 0 : i32
    %eq3A_27 = arith.cmpi eq, %arg0, %eq3A : i32
    %convert_element_type3A = arith.extui %eq3A_27 : i1 to i32
    %cond3A = arith.constant 0 : i32
    %cond3A_28 = arith.cmpi ne, %convert_element_type3A, %cond3A : i32
    scf.if %cond3A_28 {
      %broadcast_in_dim3A_40 = arith.constant 0.000000e+00 : f32
      %broadcast_in_dim3A_41 = vector.broadcast %broadcast_in_dim3A_40 : f32 to vector<64x128xf32>
      %swap3A_42 = arith.constant 0 : index
      %swap3A_43 = arith.constant 0 : index
      %swap3A_44 = vector.load %arg5[%swap3A_42, %swap3A_43] : memref<64x128xf32, #tpu.memory_space<vmem>>, vector<64x128xf32>
      tpu.vector_store %arg5[%swap3A_42, %swap3A_43], %broadcast_in_dim3A_41 {strides = array<i32>} : memref<64x128xf32, #tpu.memory_space<vmem>>, vector<64x128xf32>,
    } else {
    }
    %get3A_29 = arith.constant 0 : index
    %get3A_30 = arith.constant 0 : index
    %get3A_31 = vector.load %arg5[%get3A_29, %get3A_30] : memref<64x128xf32, #tpu.memory_space<vmem>>, vector<64x128xf32>
    %reduce_sum3A_32 = arith.constant dense<0.000000e+00> : vector<64xf32>
    %reduce_sum3A_33 = vector.multi_reduction <add>, %div3A_14, %reduce_sum3A_32 [1] : vector<64x1024xf32> to vector<64xf32>
    %broadcast_in_dim3A_34 = vector.shape_cast %reduce_sum3A_33 : vector<64xf32> to vector<64x1xf32>
    %add3A_35 = vector.broadcast %broadcast_in_dim3A_34 : vector<64x1xf32> to vector<64x128xf32>
    %add3A_36 = arith.addf %get3A_31, %add3A_35 : vector<64x128xf32>
    %swap3A_37 = arith.constant 0 : index
    %swap3A_38 = arith.constant 0 : index
    %swap3A_39 = vector.load %arg5[%swap3A_37, %swap3A_38] : memref<64x128xf32, #tpu.memory_space<vmem>>, vector<64x128xf32>
    tpu.vector_store %arg5[%swap3A_37, %swap3A_38], %add3A_36 {strides = array<i32>} : memref<64x128xf32, #tpu.memory_space<vmem>>, vector<64x128xf32>,
    return
  }
  func.func @transform_0(%arg0: i32) -> (i32, i32) {
    %c0_i32 = arith.constant 0 : i32
    %c0_i32_0 = arith.constant 0 : i32
    return %arg0, %c0_i32 : i32, i32
  }
  func.func @transform_1(%arg0: i32) -> (i32, i32) {
    %c0_i32 = arith.constant 0 : i32
    %c0_i32_0 = arith.constant 0 : i32
    %c0_i32_1 = arith.constant 0 : i32
    return %c0_i32, %c0_i32_0 : i32, i32
  }
  func.func @transform_2(%arg0: i32) -> (i32, i32) {
    %c0_i32 = arith.constant 0 : i32
    %c0_i32_0 = arith.constant 0 : i32
    %c0_i32_1 = arith.constant 0 : i32
    return %c0_i32, %c0_i32_0 : i32, i32
  }
  func.func @transform_3(%arg0: i32) -> (i32, i32, i32) {
    %c0_i32 = arith.constant 0 : i32
    %c0_i32_0 = arith.constant 0 : i32
    %c0_i32_1 = arith.constant 0 : i32
    return %arg0, %c0_i32, %c0_i32_0 : i32, i32, i32
  }
  func.func @transform_4(%arg0: i32) -> (i32, i32) {
    %c0_i32 = arith.constant 0 : i32
    %c0_i32_0 = arith.constant 0 : i32
    %c0_i32_1 = arith.constant 0 : i32
    return %c0_i32, %c0_i32_0 : i32, i32
  }
}

</mosaic_0001>

<sc_bundles>
// kernel: kernel.4.cloned.1.call-start
scs
__scs_entry_jumppad:
0x0: {  	(pc) =	sbr.rel $0x88, $3  }
0x1: {  	(tag) =	ssettag $0x0;
	lr =	simm.s32 $0x1  }
0x2: {  	[smem:$0x3F9E] =	sst lr;
	_ =	strace $0xD0000000  }
0x3: {  	_ = 	snop  }
0x4: {  	_ = 	snop  }
0x5: {  	_ = 	snop  }
0x6: {  	_ = 	snop  }
0x7: {  	_ = 	snop  }
__scs_overlays_trampoline_lowered:
0x8: {  	[smem:$0x3FAD] =	sst s0  }
0x9: {  	[smem:$0x3FAE] =	sst s1  }
0xa: {  	[smem:$0x3FAF] =	sst s2  }
0xb: {  	[smem:$0x3FB0] =	sst s3  }
0xc: {  	[smem:$0x3FB1] =	sst s4  }
0xd: {  	[smem:$0x3FB2] =	sst s5  }
0xe: {  	[smem:$0x3FB3] =	sst s6  }
0xf: {  	[smem:$0x3FB4] =	sst s7  }
0x10: {  	[smem:$0x3FB5] =	sst s8  }
0x11: {  	[smem:$0x3FB6] =	sst s9;
	s0 =	simm.s32 @!p0 $0x0  }
0x12: {  	s1 =	sld [smem:$0x3F9C];
	s0 =	simm.s32 @p0 $0x1  }
0x13: {  	[smem:$0x3FB7] =	sst s0;
	s0 =	simm.s32 @!p1 $0x0  }
0x14: {  	s2 =	sld [smem:$0x3F9B];
	s0 =	simm.s32 @p1 $0x1  }
0x15: {  	[smem:$0x3FB8] =	sst s0;
	s0 =	simm.s32 @!p2 $0x0  }
0x16: {  	s3 =	sld [smem:$0x3FDB];
	s0 =	simm.s32 @p2 $0x1  }
0x17: {  	s4 =	simm.s32 $0x1BF5;
	[smem:$0x3FBA] =	sst s0  }
0x18: {  	s0 =	sld [smem:$0x3F9D];
	_ =	swait.ge [sflag:s4], $0x0  }
0x19: {  	s7 =	sld [smem:$0x3F9E]  }
0x1a: {  	s8 =	sadd.s32 $0xFFFFE003, lr  }
0x1b: {  	s9 =	sadd.s32 $0xFFFFFEF7, lr;
	s5 =	simm.s32 $0xFFFFFFFF;
	p2 =	slt.u32 s8, $0xFFFFF086  }
0x1c: {  	p1 =	slt.u32 s9, $0xF7A;
	s5 =	simm.s32 @!p2 $0x0  }
0x1d: {  	s5 =	simm.s32 @p1 $0x1;
	p0 =	seq.s32 s7, s2  }
0x1e: {  	s7 =	smul.u32 @!p0 $0xF7A, s2;
	p2 =	seq.s32 @!p0 s5, $0x0  }
0x1f: {  	s9 =	smul.u32 $0xF7A, s1;
	s8 =	simm.s32 @!p0 $0x1BF5;
	p2 =	por !p2, p0  }
0x20: {  	[sflag:s8] =	ssyncset.s32 @!p0 $0xFFFFF086;
	s6 =	sadd.s32 @!p0 s3, s7;
	s7 =	simm.s32 @!p0 $0x108  }
0x21: {  	s3 =	sadd.s32 s3, s9;
	s6 =	sadd.s32 @!p0 $0x88, s6;
	s7 =	simm.s32 @p2 $0x1082  }
0x22: {  	[simem:s7], [sflag:s8] =	dma.local @!p0 [hbm:s6], $0xF7A  }
0x23: {  	s9 =	sor.u32 $0xD0000000, s2;
	s6 =	simm.s32 $0x108;
	_ =	swait.ge @!p0 [sflag:s8], $0x0  }
0x24: {  	s3 =	sadd.s32 $0x88, s3;
	s6 =	simm.s32 @!p1 $0x1082;
	[sflag:s4] =	ssyncset.s32 $0xFFFFF086  }
0x25: {  	[simem:s6], [sflag:s4] =	dma.local [hbm:s3], $0xF7A  }
0x26: {  	[smem:$0x3F9E] =	sst s1;
	(tag) =	ssettag s2;
	_ =	strace s9  }
0x27: {  	s1 =	sld [smem:$0x3FAE]  }
0x28: {  	s2 =	sld [smem:$0x3FAF]  }
0x29: {  	s4 =	sld [smem:$0x3FB1]  }
0x2a: {  	p0 =	seq.s32 s5, $0x0;
	s5 =	sld [smem:$0x3FB2]  }
0x2b: {  	s6 =	sld [smem:$0x3FB3]  }
0x2c: {  	s7 =	sld [smem:$0x3FB4]  }
0x2d: {  	s3 =	simm.s32 $0x108;
	s8 =	sld [smem:$0x3FB5]  }
0x2e: {  	s3 =	simm.s32 @!p0 $0x1082;
	s9 =	sld [smem:$0x3FB6]  }
0x2f: {  	lr =	sadd.s32 s0, s3;
	s0 =	sld [smem:$0x3FAD]  }
0x30: {  	s3 =	sld [smem:$0x3FB0]  }
0x31: {  	[smem:$0x3FB9] =	sst s10  }
0x32: {  	s10 =	sld [smem:$0x3FB7];
	_ =	sdelay $0x3  }
0x33: {  	p0 =	seq.s32 s10, $0x1;
	s10 =	sld [smem:$0x3FB9];
	_ =	sdelay $0x3  }
0x34: {  	[smem:$0x3FB9] =	sst s10  }
0x35: {  	s10 =	sld [smem:$0x3FB8];
	_ =	sdelay $0x3  }
0x36: {  	p1 =	seq.s32 s10, $0x1;
	s10 =	sld [smem:$0x3FB9];
	_ =	sdelay $0x3  }
0x37: {  	[smem:$0x3FB9] =	sst s10  }
0x38: {  	s10 =	sld [smem:$0x3FBA]  }
0x39: {  	_ = 	snop;
	(pc) =	sbr.ind lr, $3  }
0x3a: {  	_ = 	snop  }
0x3b: {  	_ = 	snop  }
0x3c: {  	p2 =	seq.s32 s10, $0x1;
	s10 =	sld [smem:$0x3FB9]  }
0x3d: {  	_ =	shalt  }
0x3e: {  	_ =	shalt  }
0x3f: {  	_ =	shalt  }
0x40: {  	_ =	shalt  }
0x41: {  	_ =	shalt  }
0x42: {  	_ =	shalt  }
0x43: {  	_ =	shalt  }
0x44: {  	_ =	shalt  }
0x45: {  	_ =	shalt  }
0x46: {  	_ =	shalt  }
0x47: {  	_ =	shalt  }
0x48: {  	_ =	shalt  }
0x49: {  	_ =	shalt  }
0x4a: {  	_ =	shalt  }
0x4b: {  	_ =	shalt  }
0x4c: {  	_ =	shalt  }
0x4d: {  	_ =	shalt  }
0x4e: {  	_ =	shalt  }
0x4f: {  	_ =	shalt  }
0x50: {  	_ =	shalt  }
0x51: {  	_ =	shalt  }
0x52: {  	_ =	shalt  }
0x53: {  	_ =	shalt  }
0x54: {  	_ =	shalt  }
0x55: {  	_ =	shalt  }
0x56: {  	_ =	shalt  }
0x57: {  	_ =	shalt  }
0x58: {  	_ =	shalt  }
0x59: {  	_ =	shalt  }
0x5a: {  	_ =	shalt  }
0x5b: {  	_ =	shalt  }
0x5c: {  	_ =	shalt  }
0x5d: {  	_ =	shalt  }
0x5e: {  	_ =	shalt  }
0x5f: {  	_ =	shalt  }
0x60: {  	_ =	shalt  }
0x61: {  	_ =	shalt  }
0x62: {  	_ =	shalt  }
0x63: {  	_ =	shalt  }
0x64: {  	_ =	shalt  }
0x65: {  	_ =	shalt  }
0x66: {  	_ =	shalt  }
0x67: {  	_ =	shalt  }
0x68: {  	_ =	shalt  }
0x69: {  	_ =	shalt  }
0x6a: {  	_ =	shalt  }
0x6b: {  	_ =	shalt  }
0x6c: {  	_ =	shalt  }
0x6d: {  	_ =	shalt  }
0x6e: {  	_ =	shalt  }
0x6f: {  	_ =	shalt  }
0x70: {  	_ =	shalt  }
0x71: {  	_ =	shalt  }
0x72: {  	_ =	shalt  }
0x73: {  	_ =	shalt  }
0x74: {  	_ =	shalt  }
0x75: {  	_ =	shalt  }
0x76: {  	_ =	shalt  }
0x77: {  	_ =	shalt  }
0x78: {  	_ =	shalt  }
0x79: {  	_ =	shalt  }
0x7a: {  	_ =	shalt  }
0x7b: {  	_ =	shalt  }
0x7c: {  	_ =	shalt  }
0x7d: {  	_ =	shalt  }
0x7e: {  	_ =	shalt  }
0x7f: {  	_ =	shalt  }
0x80: {  	_ =	shalt  }
0x81: {  	_ =	shalt  }
0x82: {  	_ =	shalt  }
0x83: {  	_ =	shalt  }
0x84: {  	_ =	shalt  }
0x85: {  	_ =	shalt  }
0x86: {  	_ =	shalt  }
0x87: {  	_ =	shalt  }
.Lfunc_end0:
.L_simem_size_0:
called_computation_lowered:
.L_overlay_start_0:
0x88: {  	s2 =	sld [smem:$0x3FD9]  }
0x89: {  	s3 =	sld [smem:$0x3FFE];
	_ =	sdelay $0x1  }
0x8a: {  	s1 =	srdreg.scid  }
0x8b: {  	s0 =	sand.u32 $0x1, s1  }
0x8c: {  	s14 =	sshll.u32 s0, $0xA;
	s2 =	sadd.s32 s3, s2  }
0x8d: {  	s2 =	sadd.s32 s2, s14  }
0x8e: {  	[smem:$0x3FC5] =	sst s2  }
0x8f: {  	_ = 	snop  }
0x90: {  	s2 =	sld [smem:$0x3FD0];
	_ =	sdelay $0x2  }
0x91: {  	s15 =	simm.s32 $0xA;
	s4 =	simm.s32 $0x10  }
0x92: {  	[smem:s4], [sflag:s15] =	dma.local [hbm:s2], $0x1  }
0x93: {  	_ =	swait.eq [sflag:s15], $0x1  }
0x94: {  	[sflag:s15] =	ssyncset.done $0x0  }
0x95: {  	[sflag:s15] =	ssyncadd.s32 $0xFFFFFFFF  }
0x96: {  	s16 =	sld [smem:$0x11];
	(tm) =	ssettm $0x1  }
0x97: {  	s17 =	sld [smem:$0x3FFB];
	_ =	sdelay $0x3  }
0x98: {  	_ =	strace s17  }
0x99: {  	s3 =	sld [smem:$0x3FFC];
	_ =	sdelay $0x3  }
0x9a: {  	_ =	strace s3  }
0x9b: {  	s3 =	sld [smem:$0x3FFD];
	_ =	sdelay $0x3  }
0x9c: {  	_ =	strace s3  }
0x9d: {  	_ =	strace $0x8FFFFFFF  }
0x9e: {  	s18 =	sld [smem:$0x3FDB];
	_ =	sdelay $0x1  }
0x9f: {  	s19 =	simm.s32 $_scs_section_size  }
0xa0: {  	s5 =	simm.s32 $_size__tile_overlayer_lowered;
	s6 =	simm.s32 $_tile_overlayer_lowered  }
0xa1: {  	s22 =	simm.s32 $0x1BFF;
	s21 =	sshll.u32 s6, $0x1;
	s3 =	sadd.s32 s19, s18  }
0xa2: {  	s7 =	simm.s32 $0x0;
	s20 =	sshll.u32 s5, $0x1;
	s5 =	sadd.s32 s21, s3  }
0xa3: {  	[timem:s7], [sflag:s22] =	dma.local [hbm:s5], s20  }
0xa4: {  	_ =	swait.ge [sflag:s22], s20  }
0xa5: {  	s4 =	ssub.s32 $0x0, s20;
	[sflag:s22] =	ssyncset.done $0x0  }
0xa6: {  	[sflag:s22] =	ssyncadd.s32 s4;
	_ =	sdelay $0x1  }
0xa7: {  	s23 =	simm.s32 $0x1B8B  }
0xa8: {  	_ =	swait.ge [sflag:s23], $0x1  }
0xa9: {  	[sflag:s23] =	ssyncset.done $0x0  }
0xaa: {  	s25 =	simm.s32 $0x1B8E;
	s24 =	sld [smem:$0x3FFE];
	[sflag:s23] =	ssyncadd.s32 $0xFFFFFFFF  }
0xab: {  	s26 =	simm.s32 $execute0_lowered;
	[smem:$0x3FD2] =	sst s25  }
0xac: {  	s5 =	sshll.u32 s26, $0x1;
	_ =	strace $0x80000046;
	[dreg:$0x1] =	wrdreg $0xFFFFFFFF  }
0xad: {  	s28 =	simm.s32 $_size_execute0_lowered;
	s3 =	sadd.s32 s3, s5;
	[dreg:$0x0] =	wrdreg $0x0  }
0xae: {  	s5 =	sshll.u32 s28, $0x1;
	[dreg:$0x2] =	wrdreg s3  }
0xaf: {  	[dreg:$0x3] =	wrdreg s5  }
0xb0: {  	[dreg:$0x4] =	wrdreg $0xC0  }
0xb1: {  	_ =	task [dreg:s7], $0x5FFFF  }
0xb2: {  	[dreg:$0x1] =	wrdreg $0xFFFFFFFF  }
0xb3: {  	[dreg:$0x0] =	wrdreg $0x60  }
0xb4: {  	[dreg:$0x2] =	wrdreg s24  }
0xb5: {  	[dreg:$0x3] =	wrdreg s16  }
0xb6: {  	[dreg:$0x4] =	wrdreg $0x9  }
0xb7: {  	_ =	task.clear_ibuf [dreg:s7], $0x5FFFF;
	_ =	strace $0x90000046  }
0xb8: {  	s29 =	simm.s32 $0x9;
	_ =	strace $0x80000048  }
0xb9: {  	_ =	swait.ge [sflag:s29], $0x1  }
0xba: {  	[sflag:s29] =	ssyncadd.s32 $0xFFFFFFFF  }
0xbb: {  	_ =	strace $0x90000048  }
0xbc: {  	_ =	sfence  }
0xbd: {  	s30 =	sld [smem:$0x0];
	_ =	sdelay $0x2  }
0xbe: {  	s31 =	sshll.u32 s1, $0xD;
	s1 =	sshrl.u32 s1, $0x2  }
0xbf: {  	s3 =	sand.u32 $0x4000, s31;
	s1 =	sadd.s32 s1, s30  }
0xc0: {  	s0 =	sor.u32 s3, s0;
	s1 =	sshll.u32 s1, $0x11  }
0xc1: {  	s0 =	sor.u32 s1, s0  }
0xc2: {  	s0 =	sadd.s32 $0x8F2B, s0  }
0xc3: {  	[sflag:s0] =	ssyncadd.remote.s32 $0x1  }
0xc4: {  	_ =	sfence.sel $0xFFFF  }
0xc5: {  	[dreg:$0x0] =	wrdreg $0xFFFFFFFF;
	(pc) =	sbr.abs _section_cstart, $3  }
0xc6: {  	[dreg:$0x1] =	wrdreg $0xFFFFFFFF  }
0xc7: {  	_ =	task.clear_ibuf [dreg:s7], $0x2FFFF;
	_ =	strace $0x9FFFFFFF  }
0xc8: {  	(tm) =	ssettm $0x7FFFFFFF  }
0xc9: {  	_ =	shalt  }
tec
execute0_lowered:
.L_overlay_start_1:
0x0: {  	(tag) =	ssettag $0x1  }
0x1: {  	s3 =	rddreg [dreg:$0x0]  }
0x2: {  	s4 =	rddreg [dreg:$0x1]  }
0x3: {  	s0 =	rddreg [dreg:$0x2]  }
0x4: {  	s2 =	simm.s32 $0x0;
	s5 =	srdreg.scid;
	s1 =	stileid.u32  }
0x5: {  	s10 =	simm.s32 $0x8000;
	s11 =	simm.s32 $0x8200;
	s12 =	simm.s32 $0x8400  }
0x6: {  	s13 =	simm.s32 $0x8600;
	s5 =	sand.u32 $0x1, s5;
	s6 =	sshll.u32 s1, $0x1  }
0x7: {  	s14 =	simm.s32 $0x0;
	[smem:$0x7FF] =	sst s2;
	s6 =	sor.u32 s5, s6  }
0x8: {  	v0 =	vimm.s32 $0x0;
	v20 =	vimm.s32 $0x2;
	_ =	strace $0x80000047;
	s5 =	ssub.s32 $0x2, s5;
	s7 =	sshll.u32 s6, $0xC  }
0x9: {  	v21 =	vimm.s32 $0x3;
	v24 =	vimm.s32 $0x4;
	v25 =	vimm.s32 $0x5;
	s6 =	sshll.u32 s6, $0x6;
	s8 =	sshrl.u32 s5, $0x1;
	s7 =	sadd.s32 s7, s3  }
0xa: {  	v28 =	vimm.s32 $0x6;
	v29 =	vimm.s32 $0x7;
	v32 =	vimm.s32 $0x8;
	s9 =	sadd.s32 s6, s3;
	s8 =	ssub.s32 s5, s8;
	s4 =	sadd.s32 s4, s6  }
0xb: {  	v38 =	vimm.s32 $0x9;
	v42 =	vimm.s32 $0xB;
	v45 =	vimm.s32 $0xD;
	s3 =	sadd.s32 $0xA00, s7;
	s5 =	sadd.s32 $0x20A00, s9;
	s6 =	sadd.s32 $0x21200, s9  }
0xc: {  	v49 =	vimm.s32 $0xF;
	v53 =	vimm.s32 $0x11;
	v60 =	vimm.s32 $0x15;
	s7 =	sadd.s32 $0x21A00, s9;
	s8 =	smax.u32 s8, $0x1;
	s9 =	simm.s32 $0x1  }
.LBB2_1:
0xd: {  	[tilespmem:s2], [sflag:$0x1] =	stream.linear.gather [hbm4b:s3+s2], $0x8000, $0x38;
	[tilespmem:$0x8800] =	vst v63  }
0xe: {  	s15 =	simm.s32 $0x8600;
	s16 =	simm.s32 $0x8400;
	_ =	swait.ge [sflag:s9], $0x8000  }
0xf: {  	s17 =	simm.s32 $0x8200;
	s18 =	simm.s32 $0x8000;
	[sflag:s9] =	ssyncset.done $0x0  }
0x10: {  	s19 =	simm.s32 $0x0;
	s20 =	simm.s32 $0x0;
	[sflag:s9] =	ssyncadd.s32 $0xFFFF8000  }
.LBB2_2:
0x11: {  	s21 =	sand.u32 $0x70, s20;
	s22 =	sand.u32 $0xC00, s19  }
0x12: {  	s21 =	sor.u32 s21, s22  }
0x13: {  	v1 =	vld [tilespmem:s21+$0x0]  }
0x14: {  	v2 =	vld [tilespmem:s21+$0x80]  }
0x15: {  	v3 =	vld [tilespmem:s21+$0x100]  }
0x16: {  	v4 =	vld [tilespmem:s21+$0x180]  }
0x17: {  	v5 =	vld [tilespmem:s21+$0x200]  }
0x18: {  	v6 =	vld [tilespmem:s21+$0x280]  }
0x19: {  	v7 =	vld [tilespmem:s21+$0x300]  }
0x1a: {  	v8 =	vld [tilespmem:s21+$0x380]  }
0x1b: {  	v9 =	vld [tilespmem:s21+$0x1000]  }
0x1c: {  	v10 =	vld [tilespmem:s21+$0x1080]  }
0x1d: {  	v11 =	vld [tilespmem:s21+$0x1100]  }
0x1e: {  	v12 =	vld [tilespmem:s21+$0x1180]  }
0x1f: {  	v13 =	vld [tilespmem:s21+$0x1200]  }
0x20: {  	v14 =	vld [tilespmem:s21+$0x1280]  }
0x21: {  	v15 =	vld [tilespmem:s21+$0x1300]  }
0x22: {  	v17 =	vld [tilespmem:s21+$0x1380];
	_ =	sdelay $0x2  }
0x23: {  	vm0 =	vgt.f32 v2, v1;
	vm12 =	vgt.f32 v4, v3  }
0x24: {  	vm13 =	vgt.f32 v6, v5;
	vm14 =	vgt.f32 v8, v7;
	vm15 =	vgt.f32 v10, v9  }
0x25: {  	vm4 =	vgt.f32 v12, v11;
	vm5 =	vgt.f32 v14, v13;
	vm6 =	vgt.f32 v17, v15  }
0x26: {  	v19 =	vld [tilespmem:s21+$0x2000];
	vm1 =	vmneg vm0;
	v16 =	vsel vm0, v2, v1;
	v18 =	vsel vm0, $0x1, v0  }
0x27: {  	v61 =	vld [tilespmem:s21+$0x2180];
	v34 =	vsel vm0, v1, v2;
	v22 =	vsel vm12, v4, v3;
	v23 =	vsel vm12, $0x3, v20  }
0x28: {  	v62 =	vld [tilespmem:s21+$0x2280];
	v4 =	vsel vm12, v3, v4;
	v30 =	vsel vm12, $0x2, v21;
	v26 =	vsel vm13, v6, v5  }
0x29: {  	v20 =	vld [tilespmem:s21+$0x2080];
	v27 =	vsel vm13, $0x5, v24;
	v40 =	vsel vm13, v5, v6;
	v41 =	vsel vm13, $0x4, v25  }
0x2a: {  	v21 =	vld [tilespmem:s21+$0x2100];
	v31 =	vsel vm14, v8, v7;
	v33 =	vsel vm14, $0x7, v28;
	v7 =	vsel vm14, v7, v8  }
0x2b: {  	v24 =	vld [tilespmem:s21+$0x2200];
	v5 =	vsel vm14, $0x6, v29;
	v35 =	vsel vm15, v10, v9;
	v36 =	vsel vm15, $0x9, v32  }
0x2c: {  	v25 =	vld [tilespmem:s21+$0x2300];
	v48 =	vsel vm15, v9, v10;
	v51 =	vsel vm15, $0x8, v38;
	v38 =	vsel vm4, v12, v11  }
0x2d: {  	v9 =	vld [tilespmem:s21+$0x2380];
	v10 =	vsel vm4, v11, v12;
	v44 =	vsel vm4, $0xA, v42;
	v42 =	vsel vm5, v14, v13  }
0x2e: {  	v11 =	vld [tilespmem:s21+$0x3000];
	v52 =	vsel vm5, v13, v14;
	v59 =	vsel vm5, $0xC, v45;
	v45 =	vsel vm6, v17, v15  }
0x2f: {  	v12 =	vld [tilespmem:s21+$0x3080];
	v47 =	vsel vm6, v15, v17;
	v13 =	vsel vm6, $0xE, v49;
	v1 =	vimm.s32 $0x19  }
0x30: {  	v14 =	vld [tilespmem:s21+$0x3100];
	v37 =	vsel vm1, $0x1, v0;
	v0 =	vimm.s32 $0xA;
	vm14 =	vgt.f32 v31, v26  }
0x31: {  	v28 =	vld [tilespmem:s21+$0x3180];
	vm15 =	vgt.f32 v38, v35;
	v39 =	vsel vm4, $0xB, v0;
	v0 =	vimm.s32 $0xC  }
0x32: {  	vm4 =	vgt.f32 v22, v16;
	v43 =	vsel vm5, $0xD, v0;
	v0 =	vimm.s32 $0xE  }
0x33: {  	v5 =	vsel vm14, v5, v33;
	v4 =	vsel vm4, v4, v22;
	v46 =	vsel vm6, $0xF, v0  }
0x34: {  	v0 =	vimm.s32 $0x10;
	vm7 =	vgt.f32 v20, v19;
	vm8 =	vgt.f32 v61, v21  }
0x35: {  	vm9 =	vgt.f32 v62, v24;
	vm10 =	vgt.f32 v9, v25;
	vm11 =	vgt.f32 v12, v11  }
0x36: {  	v15 =	vld [tilespmem:s21+$0x3200];
	vm12 =	vgt.f32 v28, v14;
	v49 =	vsel vm7, v20, v19;
	v50 =	vsel vm7, $0x11, v0  }
0x37: {  	v29 =	vld [tilespmem:s21+$0x3300];
	v20 =	vsel vm7, v19, v20;
	v0 =	vsel vm7, $0x10, v53;
	v53 =	vsel vm8, v61, v21  }
0x38: {  	v19 =	vld [tilespmem:s21+$0x3280];
	v6 =	vsel vm8, v21, v61;
	v56 =	vsel vm9, v62, v24;
	v58 =	vsel vm9, v24, v62  }
0x39: {  	v21 =	vld [tilespmem:s21+$0x3380];
	v62 =	vsel vm10, v25, v9;
	v2 =	vsel vm11, v12, v11;
	[tilespmem:$0x1FEE0] =	vst v0;
	v0 =	vimm.s32 $0x12  }
0x3a: {  	v12 =	vsel vm11, v11, v12;
	v54 =	vsel vm8, $0x13, v0;
	v0 =	vimm.s32 $0x13  }
0x3b: {  	v32 =	vld [tilespmem:s21+$0x4000];
	v11 =	vsel vm12, v14, v28;
	v55 =	vsel vm8, $0x12, v0;
	v0 =	vimm.s32 $0x14  }
0x3c: {  	v8 =	vld [tilespmem:s21+$0x4080];
	v57 =	vsel vm9, $0x15, v0;
	v0 =	vsel vm9, $0x14, v60;
	v60 =	vsel vm10, v9, v25  }
0x3d: {  	v25 =	vsel vm11, $0x18, v1;
	v1 =	vsel vm12, v28, v14;
	v14 =	vsel vm4, v16, v34  }
0x3e: {  	v63 =	vld [tilespmem:s21+$0x4100];
	[tilespmem:$0x1FEF0] =	vst v0;
	v0 =	vimm.s32 $0x16;
	vm3 =	vgt.f32 v19, v15;
	vm5 =	vgt.f32 v21, v29  }
0x3f: {  	v34 =	vld [tilespmem:s21+$0x4280];
	v61 =	vsel vm10, $0x17, v0;
	v0 =	vimm.s32 $0x17;
	v17 =	vsel vm3, v19, v15  }
0x40: {  	v15 =	vsel vm3, v15, v19;
	v19 =	vld [tilespmem:s21+$0x4200];
	v9 =	vsel vm10, $0x16, v0;
	v0 =	vimm.s32 $0x18  }
0x41: {  	vm2 =	vgt.f32 v8, v32;
	v28 =	vsel vm5, v21, v29;
	v3 =	vsel vm11, $0x19, v0;
	v0 =	vld [tilespmem:s21+$0x4180]  }
0x42: {  	v29 =	vsel vm5, v29, v21;
	v21 =	vsel vm2, v8, v32;
	v8 =	vsel vm2, v32, v8  }
0x43: {  	v10 =	vsel vm15, v10, v38;
	vm13 =	vgt.f32 v4, v14;
	[tilespmem:$0x1FF00] =	vst v8;
	v8 =	vsel vm4, v22, v16  }
0x44: {  	v16 =	vsel vm4, v18, v37;
	v22 =	vsel vm4, v23, v18;
	vm10 =	vgt.f32 v45, v42  }
0x45: {  	v18 =	vsel vm4, v30, v23;
	v13 =	vsel vm10, v13, v46;
	vm4 =	vgt.f32 v34, v19  }
0x46: {  	v30 =	vsel vm4, v34, v19;
	v34 =	vsel vm4, v19, v34;
	vm1 =	vgt.f32 v0, v63  }
0x47: {  	v24 =	vsel vm1, v0, v63;
	v32 =	vsel vm1, v63, v0;
	v0 =	vimm.s32 $0x1A  }
0x48: {  	v19 =	vimm.s32 $0x1D;
	v37 =	vsel vm12, $0x1B, v0;
	v0 =	vsel vm13, v4, v14  }
0x49: {  	v63 =	vimm.s32 $0x1C;
	v14 =	vsel vm14, v31, v26;
	[tilespmem:$0x1FF10] =	vst v0;
	v0 =	vsel vm13, v18, v16  }
0x4a: {  	v23 =	vld [tilespmem:s21+$0x4300];
	v16 =	vsel vm14, v26, v40;
	v18 =	vsel vm14, v7, v31;
	v40 =	vsel vm3, $0x1D, v63  }
0x4b: {  	v4 =	vld [tilespmem:s21+$0x4380];
	v26 =	vsel vm14, v27, v41;
	v7 =	vsel vm14, v33, v27;
	v41 =	vsel vm3, $0x1C, v19  }
0x4c: {  	v19 =	vsel vm15, v38, v35;
	v63 =	vsel vm15, v39, v36;
	v31 =	vsel vm15, v44, v39  }
0x4d: {  	v27 =	vld [tilespmem:s21+$0x5000];
	v39 =	vimm.s32 $0x1E;
	vm14 =	vgt.f32 v60, v56;
	vm6 =	vgt.f32 v18, v16  }
0x4e: {  	[tilespmem:$0x1FF20] =	vst v0;
	v0 =	vimm.s32 $0x1B;
	v18 =	vsel vm6, v18, v16;
	v16 =	vsel vm6, v5, v26;
	v5 =	vld [tilespmem:s21+$0x5080]  }
0x4f: {  	v0 =	vsel vm12, $0x1A, v0;
	v26 =	vsel vm15, v36, v51;
	v36 =	vsel vm5, $0x1F, v39  }
0x50: {  	v39 =	vsel vm10, v42, v52;
	vm12 =	vgt.f32 v53, v49;
	vm0 =	vgt.f32 v4, v23  }
0x51: {  	v33 =	vsel vm0, v4, v23;
	v4 =	vsel vm0, v23, v4;
	v23 =	vsel vm15, v35, v48  }
0x52: {  	v6 =	vsel vm12, v6, v53;
	v48 =	vimm.s32 $0x1F;
	vm9 =	vgt.f32 v10, v23  }
0x53: {  	v48 =	vsel vm5, $0x1E, v48;
	vm3 =	vgt.f32 v5, v27;
	v51 =	vsel vm9, v10, v23  }
0x54: {  	v44 =	vsel vm9, v31, v26;
	v23 =	vsel vm10, v45, v42;
	v26 =	vsel vm10, v47, v45  }
0x55: {  	v35 =	vld [tilespmem:s21+$0x5100];
	v31 =	vsel vm10, v43, v59;
	v59 =	vsel vm10, v46, v43;
	vm9 =	vgt.f32 v1, v2  }
0x56: {  	v10 =	vld [tilespmem:s21+$0x5180];
	[tilespmem:$0x1FF30] =	vst v44;
	v38 =	vsel vm3, v5, v27;
	v44 =	vsel vm3, v27, v5;
	v27 =	vimm.s32 $0x20  }
0x57: {  	vm11 =	vgt.f32 v26, v39;
	v5 =	vsel vm12, v49, v20;
	v12 =	vsel vm9, v2, v12  }
0x58: {  	v42 =	vsel vm2, $0x21, v27;
	v27 =	vimm.s32 $0x21;
	v47 =	vsel vm11, v13, v31;
	v31 =	vld [tilespmem:$0x1FEE0]  }
0x59: {  	v20 =	vld [tilespmem:s21+$0x5280];
	v0 =	vsel vm9, v0, v37;
	vm13 =	vgt.f32 v6, v5;
	v45 =	vsel vm2, $0x20, v27  }
0x5a: {  	v13 =	vld [tilespmem:s21+$0x5200];
	v27 =	vsel vm11, v26, v39;
	v26 =	vsel vm12, v53, v49;
	v53 =	vsel vm12, v54, v50  }
0x5b: {  	v49 =	vimm.s32 $0x22;
	vm11 =	vgt.f32 v28, v17;
	vm2 =	vgt.f32 v10, v35  }
0x5c: {  	[tilespmem:$0x1FF40] =	vst v47;
	v47 =	vsel vm1, $0x23, v49;
	v15 =	vsel vm11, v17, v15;
	v46 =	vsel vm2, v10, v35  }
0x5d: {  	v43 =	vld [tilespmem:s21+$0x5300];
	v31 =	vsel vm12, v50, v31;
	v50 =	vsel vm12, v55, v54;
	v55 =	vsel vm2, v35, v10  }
0x5e: {  	v54 =	vsel vm13, v6, v5;
	v5 =	vsel vm14, v56, v58;
	v35 =	vsel vm14, v62, v60;
	v58 =	vld [tilespmem:$0x1FEF0]  }
0x5f: {  	v10 =	vld [tilespmem:s21+$0x5380];
	vm5 =	vgt.f32 v20, v13;
	v6 =	vsel vm14, v61, v57;
	v62 =	vsel vm14, v9, v61  }
0x60: {  	v52 =	vsel vm13, v50, v31;
	v50 =	vimm.s32 $0x23;
	v31 =	vsel vm14, v60, v56  }
0x61: {  	v56 =	vimm.s32 $0x24;
	vm15 =	vgt.f32 v35, v5;
	vm13 =	vgt.f32 v24, v21  }
0x62: {  	v49 =	vsel vm1, $0x22, v50;
	v50 =	vsel vm4, $0x25, v56;
	v9 =	vsel vm15, v35, v5  }
0x63: {  	v56 =	vsel vm5, v20, v13;
	v35 =	vimm.s32 $0x25;
	v60 =	vsel vm14, v57, v58  }
0x64: {  	vm1 =	vgt.f32 v10, v43;
	v58 =	vsel vm5, v13, v20;
	v20 =	vsel vm11, v29, v28  }
0x65: {  	v29 =	vimm.s32 $0x29;
	v5 =	vsel vm15, v62, v60;
	v60 =	vsel vm1, v10, v43  }
0x66: {  	v39 =	vld [tilespmem:s21+$0x6080];
	v61 =	vsel vm1, v43, v10;
	v62 =	vsel vm4, $0x24, v35;
	v35 =	vsel vm9, v1, v2  }
0x67: {  	v57 =	vld [tilespmem:s21+$0x6000];
	v1 =	vsel vm9, v11, v1;
	v10 =	vsel vm9, v37, v3;
	v2 =	vsel vm9, v3, v25  }
0x68: {  	v43 =	vimm.s32 $0x27;
	v25 =	vsel vm11, v40, v41;
	vm12 =	vgt.f32 v20, v15  }
0x69: {  	v41 =	vsel vm13, v24, v21;
	v24 =	vsel vm13, v32, v24;
	vm15 =	vgt.f32 v33, v30  }
0x6a: {  	vm9 =	vgt.f32 v46, v38;
	vm10 =	vgt.f32 v1, v12;
	v4 =	vsel vm15, v4, v33  }
0x6b: {  	v3 =	vld [tilespmem:s21+$0x6100];
	v62 =	vsel vm15, v50, v62;
	v44 =	vsel vm9, v38, v44;
	v37 =	vsel vm10, v1, v12  }
0x6c: {  	v32 =	vld [tilespmem:s21+$0x6280];
	v1 =	vimm.s32 $0x26;
	v13 =	vsel vm10, v0, v2;
	vm4 =	vgt.f32 v39, v57  }
0x6d: {  	v2 =	vld [tilespmem:s21+$0x6180];
	v0 =	vsel vm4, v39, v57;
	v11 =	vsel vm4, v57, v39;
	v39 =	vsel vm11, v28, v17  }
0x6e: {  	v17 =	vsel vm11, v36, v40;
	v28 =	vsel vm11, v48, v36;
	v36 =	vsel vm3, $0x28, v29;
	v29 =	vld [tilespmem:s21+$0x6200]  }
0x6f: {  	v12 =	vsel vm0, $0x26, v43;
	v43 =	vsel vm12, v20, v15;
	v20 =	vsel vm12, v28, v25;
	v25 =	vld [tilespmem:$0x1FF00]  }
0x70: {  	v1 =	vsel vm0, $0x27, v1;
	v57 =	vimm.s32 $0x28;
	v40 =	vsel vm13, v49, v47  }
0x71: {  	v57 =	vsel vm3, $0x29, v57;
	v28 =	vsel vm13, v42, v45;
	vm12 =	vgt.f32 v60, v56  }
0x72: {  	vm0 =	vgt.f32 v2, v3;
	v36 =	vsel vm9, v57, v36;
	v61 =	vsel vm12, v61, v60  }
0x73: {  	v15 =	vsel vm0, v2, v3;
	v2 =	vsel vm0, v3, v2;
	v3 =	vimm.s32 $0x2A  }
0x74: {  	v3 =	vsel vm2, $0x2B, v3;
	vm6 =	vgt.f32 v32, v29;
	v25 =	vsel vm13, v21, v25  }
0x75: {  	v48 =	vld [tilespmem:s21+$0x6380];
	v21 =	vsel vm13, v47, v42;
	v47 =	vsel vm15, v33, v30;
	vm14 =	vgt.f32 v24, v25  }
0x76: {  	v42 =	vld [tilespmem:s21+$0x6300];
	v45 =	vsel vm14, v24, v25;
	v24 =	vsel vm14, v40, v28;
	v25 =	vimm.s32 $0x2B  }
0x77: {  	v28 =	vsel vm15, v30, v34;
	v40 =	vsel vm2, $0x2A, v25;
	v25 =	vimm.s32 $0x2C  }
0x78: {  	v33 =	vsel vm6, v29, v32;
	vm7 =	vgt.f32 v4, v28;
	v30 =	vsel vm5, $0x2D, v25  }
0x79: {  	v25 =	vsel vm15, v1, v50;
	v1 =	vsel vm15, v12, v1;
	v49 =	vsel vm7, v4, v28  }
0x7a: {  	v4 =	vsel vm6, v32, v29;
	v29 =	vimm.s32 $0x2D;
	v50 =	vsel vm9, v46, v38  }
0x7b: {  	v46 =	vsel vm9, v55, v46;
	vm15 =	vgt.f32 v15, v0;
	vm8 =	vgt.f32 v48, v42  }
0x7c: {  	v28 =	vsel vm7, v1, v62;
	v34 =	vsel vm5, $0x2C, v29;
	v29 =	vsel vm9, v3, v57  }
0x7d: {  	vm10 =	vgt.f32 v46, v44;
	v3 =	vsel vm9, v40, v3;
	v57 =	vimm.s32 $0x2F  }
0x7e: {  	v11 =	vsel vm15, v0, v11;
	v0 =	vsel vm15, v15, v0;
	v2 =	vsel vm15, v2, v15  }
0x7f: {  	v12 =	vld [tilespmem:s21+$0x7000];
	v62 =	vsel vm8, v48, v42;
	v42 =	vsel vm8, v42, v48;
	v55 =	vsel vm10, v46, v44  }
0x80: {  	v1 =	vld [tilespmem:s21+$0x7080];
	v48 =	vimm.s32 $0x2E;
	v32 =	vsel vm10, v3, v36;
	v36 =	vsel vm12, v56, v58  }
0x81: {  	v56 =	vsel vm12, v60, v56;
	v58 =	vimm.s32 $0x30;
	v60 =	vimm.s32 $0x32  }
0x82: {  	v40 =	vld [tilespmem:s21+$0x7100];
	vm5 =	vgt.f32 v2, v11;
	v46 =	vimm.s32 $0x36;
	v38 =	vsel vm1, $0x2F, v48  }
0x83: {  	v44 =	vld [tilespmem:s21+$0x7180];
	v48 =	vsel vm4, $0x31, v58;
	vm13 =	vgt.f32 v61, v36;
	v2 =	vsel vm5, v2, v11  }
0x84: {  	v11 =	vsel vm8, $0x37, v46;
	v46 =	vimm.s32 $0x38;
	v58 =	vsel vm13, v61, v36  }
0x85: {  	v61 =	vsel vm0, $0x33, v60;
	v60 =	vimm.s32 $0x34;
	vm11 =	vgt.f32 v1, v12  }
0x86: {  	v3 =	vsel vm11, v1, v12;
	v1 =	vsel vm11, v12, v1;
	v12 =	vsel vm1, $0x2E, v57  }
0x87: {  	v57 =	vsel vm12, v30, v34;
	v34 =	vsel vm12, v38, v30;
	v12 =	vsel vm12, v12, v38  }
0x88: {  	v30 =	vimm.s32 $0x31;
	vm14 =	vgt.f32 v44, v40;
	v36 =	vsel vm13, v12, v57  }
0x89: {  	v12 =	vsel vm14, v44, v40;
	v57 =	vsel vm14, v40, v44;
	v40 =	vimm.s32 $0x33  }
0x8a: {  	v15 =	vsel vm6, $0x35, v60;
	v30 =	vsel vm4, $0x30, v30;
	v44 =	vsel vm0, $0x32, v40  }
0x8b: {  	v38 =	vsel vm15, v61, v48;
	v40 =	vsel vm15, v44, v61;
	v61 =	vimm.s32 $0x35  }
0x8c: {  	v30 =	vsel vm15, v48, v30;
	v44 =	vsel vm6, $0x34, v61;
	vm6 =	vgt.f32 v62, v4  }
0x8d: {  	v40 =	vsel vm5, v40, v30;
	v33 =	vsel vm6, v4, v33;
	v4 =	vsel vm6, v62, v4  }
0x8e: {  	v48 =	vsel vm6, v42, v62;
	v44 =	vsel vm6, v15, v44;
	v62 =	vimm.s32 $0x37  }
0x8f: {  	v42 =	vsel vm6, v11, v15;
	v15 =	vsel vm8, $0x36, v62;
	vm7 =	vgt.f32 v48, v33  }
0x90: {  	v60 =	vld [tilespmem:s21+$0x7280];
	vm8 =	vgt.f32 v12, v3;
	v62 =	vimm.s32 $0x3B;
	v11 =	vsel vm6, v15, v11  }
0x91: {  	v30 =	vld [tilespmem:s21+$0x7200];
	v33 =	vsel vm7, v48, v33;
	v1 =	vsel vm8, v3, v1;
	v3 =	vsel vm8, v12, v3  }
0x92: {  	v48 =	vimm.s32 $0x39;
	vm6 =	vgt.f32 v23, v19;
	v44 =	vsel vm7, v11, v44  }
0x93: {  	v61 =	vld [tilespmem:s21+$0x7300];
	v11 =	vsel vm8, v57, v12;
	v12 =	vsel vm11, $0x39, v46;
	v46 =	vsel vm11, $0x38, v48  }
0x94: {  	v15 =	vld [tilespmem:s21+$0x7380];
	v57 =	vimm.s32 $0x3A;
	v51 =	vsel vm6, v19, v51;
	v19 =	vsel vm6, v23, v19  }
0x95: {  	v48 =	vsel vm14, $0x3B, v57;
	v57 =	vsel vm14, $0x3A, v62;
	v62 =	vsel vm8, v12, v46  }
0x96: {  	vm9 =	vgt.f32 v60, v30;
	vm11 =	vgt.f32 v11, v1;
	vm14 =	vgt.f32 v14, v8  }
0x97: {  	v46 =	vsel vm8, v48, v12;
	v48 =	vsel vm8, v57, v48;
	v1 =	vsel vm11, v11, v1  }
0x98: {  	v11 =	vsel vm9, v60, v30;
	v60 =	vsel vm9, v30, v60;
	vm8 =	vgt.f32 v47, v41  }
0x99: {  	v48 =	vsel vm11, v48, v62;
	v62 =	vimm.s32 $0x3C;
	vm10 =	vgt.f32 v15, v61  }
0x9a: {  	v30 =	vsel vm9, $0x3D, v62;
	v62 =	vimm.s32 $0x3D;
	v57 =	vsel vm10, v15, v61  }
0x9b: {  	v15 =	vsel vm10, v61, v15;
	v61 =	vimm.s32 $0x3F;
	vm12 =	vgt.f32 v57, v11  }
0x9c: {  	v61 =	vsel vm10, $0x3E, v61;
	v12 =	vsel vm12, v11, v60;
	v11 =	vsel vm12, v57, v11  }
0x9d: {  	v15 =	vsel vm12, v15, v57;
	v60 =	vimm.s32 $0x3E;
	v57 =	vsel vm9, $0x3C, v62  }
0x9e: {  	v62 =	vld [tilespmem:$0x1FF10];
	vm9 =	vgt.f32 v4, v0;
	v57 =	vsel vm12, v30, v57;
	v60 =	vsel vm10, $0x3F, v60  }
0x9f: {  	vm13 =	vgt.f32 v15, v12;
	vm10 =	vgt.f32 v39, v35;
	v2 =	vsel vm9, v0, v2  }
0xa0: {  	v33 =	vsel vm9, v33, v4;
	v0 =	vsel vm9, v4, v0;
	vm11 =	vgt.f32 v11, v3  }
0xa1: {  	v30 =	vsel vm12, v60, v30;
	v60 =	vsel vm12, v61, v60;
	v12 =	vsel vm13, v15, v12  }
0xa2: {  	vm12 =	vgt.f32 v31, v26;
	vm4 =	vgt.f32 v33, v2;
	v15 =	vsel vm13, v60, v57  }
0xa3: {  	v57 =	vsel vm14, v8, v62;
	v8 =	vsel vm14, v14, v8;
	v14 =	vsel vm14, v18, v14;
	v18 =	vld [tilespmem:$0x1FF20]  }
0xa4: {  	v1 =	vsel vm11, v3, v1;
	v3 =	vsel vm11, v11, v3;
	v60 =	vimm.s32 $0x15  }
0xa5: {  	v9 =	vsel vm12, v9, v31;
	v2 =	vsel vm4, v33, v2;
	vm2 =	vgt.f32 v3, v0  }
0xa6: {  	v5 =	vsel vm12, v5, v6;
	v6 =	vsel vm12, v6, v53;
	v2 =	vsel vm2, v0, v2  }
0xa7: {  	v0 =	vsel vm2, v3, v0;
	v15 =	vsel vm11, v15, v30;
	vm15 =	vgt.f32 v14, v57  }
0xa8: {  	v18 =	vsel vm14, v22, v18;
	v22 =	vsel vm14, v7, v22;
	v7 =	vsel vm14, v16, v7  }
0xa9: {  	v62 =	vimm.s32 $0x0;
	v7 =	vsel vm15, v7, v18;
	v18 =	vsel vm6, v27, v23  }
0xaa: {  	v14 =	vsel vm15, v14, v57;
	v23 =	vimm.s32 $0x0;
	vm5 =	vgt.f32 v18, v51  }
0xab: {  	v57 =	vimm.s32 $0x0;
	v27 =	vsel vm10, v39, v35;
	v23 =	vsel vm5, $0xFFFFFFFF, v23  }
0xac: {  	v16 =	vsel vm5, v18, v51;
	v18 =	vsel vm12, v26, v54;
	v51 =	vimm.s32 $0x0  }
0xad: {  	[tilespmem:$0x1FF50] =	vst v23;
	v23 =	vsel vm12, v31, v26;
	vm7 =	vgt.f32 v9, v18;
	v26 =	vimm.s32 $0x0  }
0xae: {  	v31 =	vimm.s32 $0x0;
	v26 =	vsel vm7, $0xFFFFFFFF, v26;
	v9 =	vsel vm7, v9, v18  }
0xaf: {  	v18 =	vsel vm10, v35, v37;
	vm7 =	vgt.f32 v56, v50;
	[tilespmem:$0x1FF60] =	vst v26;
	v26 =	vsel vm10, v43, v39  }
0xb0: {  	v35 =	vsel vm8, v47, v41;
	v61 =	vsel vm7, v58, v56;
	vm13 =	vgt.f32 v26, v18  }
0xb1: {  	v39 =	vsel vm7, v56, v50;
	v56 =	vimm.s32 $0x0;
	v31 =	vsel vm13, $0xFFFFFFFF, v31  }
0xb2: {  	v18 =	vsel vm13, v26, v18;
	v26 =	vsel vm8, v41, v45;
	v45 =	vimm.s32 $0xD  }
0xb3: {  	vm13 =	vgt.f32 v19, v8;
	[tilespmem:$0x1FF70] =	vst v31;
	v31 =	vsel vm8, v49, v47;
	v49 =	vimm.s32 $0xF  }
0xb4: {  	v47 =	vimm.s32 $0x0;
	v54 =	vsel vm13, v8, v14;
	v8 =	vsel vm13, v19, v8  }
0xb5: {  	v7 =	vsel vm13, v22, v7;
	vm14 =	vgt.f32 v31, v26;
	v4 =	vsel vm4, $0xFFFFFFFF, v47  }
0xb6: {  	vm4 =	vgt.f32 v39, v35;
	v26 =	vsel vm14, v31, v26;
	v31 =	vsel vm7, v50, v55  }
0xb7: {  	v37 =	vsel vm14, $0xFFFFFFFF, v57;
	v50 =	vsel vm11, v12, v11;
	vm15 =	vgt.f32 v61, v31  }
0xb8: {  	v55 =	vsel vm13, v16, v19;
	vm5 =	vgt.f32 v50, v1;
	v41 =	vsel vm15, $0xFFFFFFFF, v62  }
0xb9: {  	v31 =	vsel vm15, v61, v31;
	v11 =	vsel vm5, $0xFFFFFFFF, v51;
	v1 =	vsel vm5, v50, v1  }
0xba: {  	vm15 =	vgt.f32 v55, v54;
	vm5 =	vgt.f32 v27, v23;
	v61 =	vimm.s32 $0x0  }
0xbb: {  	v62 =	vsel vm4, v35, v26;
	v35 =	vsel vm4, v39, v35;
	v51 =	vsel vm10, v10, v13  }
0xbc: {  	[tilespmem:$0x1FFA0] =	vst v4;
	v12 =	vsel vm15, $0xFFFFFFFF, v56;
	v4 =	vsel vm15, v55, v54;
	v9 =	vsel vm5, v23, v9  }
0xbd: {  	v57 =	vsel vm5, v18, v27;
	v58 =	vsel vm5, v27, v23;
	v33 =	vsel vm4, v31, v39  }
0xbe: {  	v18 =	vimm.s32 $0x0;
	v1 =	vsel vm2, v1, v3;
	vm3 =	vgt.f32 v0, v35  }
0xbf: {  	v39 =	vimm.s32 $0x0;
	v54 =	vsel vm8, v21, v24;
	v24 =	vimm.s32 $0x4  }
0xc0: {  	v55 =	vsel vm8, v28, v25;
	v28 =	vimm.s32 $0x6;
	vm14 =	vgt.f32 v57, v9  }
0xc1: {  	vm15 =	vgt.f32 v33, v62;
	vm1 =	vgt.f32 v58, v8;
	v14 =	vsel vm14, $0xFFFFFFFF, v61  }
0xc2: {  	[tilespmem:$0x1FFB0] =	vst v11;
	v9 =	vsel vm14, v57, v9;
	v18 =	vsel vm15, $0xFFFFFFFF, v18;
	v11 =	vsel vm15, v33, v62  }
0xc3: {  	vm15 =	vgt.f32 v1, v2;
	v57 =	vsel vm8, v25, v21;
	v25 =	vimm.s32 $0x5  }
0xc4: {  	v43 =	vld [tilespmem:$0x1FF50];
	v1 =	vsel vm15, v1, v2;
	v2 =	vsel vm1, v8, v4;
	v3 =	vsel vm1, v9, v58  }
0xc5: {  	[tilespmem:$0x1FF90] =	vst v41;
	v41 =	vld [tilespmem:$0x1FF40];
	v21 =	vimm.s32 $0x3;
	v61 =	vsel vm7, v34, v29;
	vm14 =	vgt.f32 v3, v2  }
0xc6: {  	v62 =	vsel vm7, v36, v34;
	v33 =	vsel vm9, v44, v42;
	v2 =	vsel vm14, v3, v2;
	v3 =	vld [tilespmem:$0x1FF30]  }
0xc7: {  	[tilespmem:$0x1FF80] =	vst v37;
	v44 =	vsel vm11, v46, v48;
	v37 =	vsel vm3, v35, v11;
	v1 =	vsel vm3, v1, v0  }
0xc8: {  	v8 =	vsel vm1, v58, v8;
	v0 =	vsel vm3, v0, v35;
	vm0 =	vgt.f32 v1, v37  }
0xc9: {  	v9 =	vsel vm0, $0xFFFFFFFF, v39;
	v1 =	vsel vm0, v1, v37;
	vm0 =	vgt.f32 v0, v8  }
0xca: {  	v47 =	vld [tilespmem:$0x1FF60];
	v4 =	vsel vm6, v59, v63;
	[tilespmem:$0x1FFF0] =	vst v9;
	v9 =	vsel vm6, v41, v59;
	v2 =	vsel vm0, v8, v2  }
0xcb: {  	v1 =	vsel vm0, v1, v0;
	v3 =	vsel vm6, v63, v3;
	vm6 =	vnez.u8 v43  }
0xcc: {  	v56 =	vld [tilespmem:$0x1FF70];
	v35 =	vsel vm9, v42, v38;
	v3 =	vsel vm6, v9, v3;
	vm6 =	vgt.f32 v1, v2  }
0xcd: {  	[tilespmem:$0x1FFE0] =	vst v18;
	v18 =	vld [tilespmem:$0x1FFB0];
	v42 =	vimm.s32 $0xB;
	v0 =	vsel vm0, v0, v8;
	v1 =	vsel vm6, v1, v2  }
0xce: {  	v48 =	vsel vm13, v4, v22;
	v59 =	vsel vm7, v29, v32;
	v50 =	vadd.f32 v1, v0  }
0xcf: {  	v58 =	vld [tilespmem:$0x1FF80];
	v32 =	vimm.s32 $0x8;
	v2 =	vsel vm12, v53, v52;
	vm12 =	vnez.u8 v47  }
0xd0: {  	v34 =	vld [tilespmem:$0x1FF90];
	v63 =	vsel vm9, v38, v40;
	v2 =	vsel vm12, v5, v2;
	v5 =	vadd.f32 $9.999999930e-09, v50  }
0xd1: {  	v43 =	vld [tilespmem:$0x1FFA0];
	v9 =	vsel vm10, v17, v10;
	v52 =	vsel vm10, v20, v17;
	v47 =	vsel vm11, v30, v46  }
0xd2: {  	vm10 =	vnez.u8 v18;
	vm12 =	vnez.u8 v56;
	(erf) = vrcp.f32 v5  }
0xd3: {  	[tilespmem:$0x1FFC0] =	vst v12;
	v3 =	vsel vm13, v3, v4;
	v15 =	vsel vm10, v15, v44;
	v56 =	vld [tilespmem:$0x1FFE0];
	v8 =	vsel vm12, v52, v51  }
0xd4: {  	[tilespmem:$0x1FFD0] =	vst v14;
	vm12 =	vnez.u8 v58;
	v2 =	vsel vm5, v6, v2;
	v51 =	vld [tilespmem:$0x1FFC0];
	v6 =	vsel vm5, v9, v6  }
0xd5: {  	v52 =	vld [tilespmem:$0x1FFD0];
	v58 =	vsel vm2, v15, v47;
	v11 =	vsel vm12, v55, v54;
	vm12 =	vnez.u8 v34  }
0xd6: {  	vm9 =	vnez.u8 v43;
	v50 =	vsel vm5, v8, v9;
	v55 =	vsel vm4, v61, v57  }
0xd7: {  	v14 =	vsel vm9, v33, v63;
	v54 =	vsel vm4, v57, v11;
	v5 =	vsel vm12, v62, v59  }
0xd8: {  	v63 =	vld [tilespmem:$0x1FFF0];
	v57 =	vsel vm2, v35, v14;
	v59 =	vsel vm2, v47, v35;
	v62 =	vsel vm1, v6, v48  }
0xd9: {  	v5 =	vsel vm4, v5, v61;
	vm13 =	vnez.u8 v56;
	vm11 =	vnez.u8 v51  }
0xda: {  	vm12 =	vnez.u8 v52;
	v4 =	vsel vm13, v5, v54;
	v5 =	vsel vm15, v58, v57  }
0xdb: {  	v3 =	vsel vm11, v3, v7;
	v2 =	vsel vm12, v50, v2;
	v4 =	vsel vm3, v55, v4;
	v61 =	vpop (erf)  }
0xdc: {  	p0 =	sne.s32 s20, $0x1F0;
	v5 =	vsel vm3, v5, v59;
	v3 =	vsel vm1, v48, v3;
	v0 =	vmul.f32 v61, v0  }
.Ltmp0:
0xdd: {  	v2 =	vsel vm1, v2, v6;
	vm15 =	vnez.u8 v63;
	v1 =	vmul.f32 v61, v1;
	(pc) =	sbr.rel @p0 .LBB2_2-.Ltmp0, $4  }
0xde: {  	v2 =	vsel vm14, v2, v3;
	v3 =	vsel vm3, v59, v55;
	v4 =	vsel vm15, v5, v4;
	[tilespmem:s18+$0x0] =	vst v0  }
0xdf: {  	v0 =	vsel vm0, v62, v2;
	v2 =	vsel vm0, v3, v62;
	v3 =	vsel vm0, v4, v3;
	[tilespmem:s17+$0x0] =	vst v1  }
0xe0: {  	s19 =	sadd.s32 $0x80, s19;
	s20 =	sadd.s32 $0x10, s20;
	v29 =	vimm.s32 $0x7;
	v38 =	vimm.s32 $0x9;
	s18 =	sadd.s32 $0x10, s18;
	v0 =	vsel vm6, v3, v0;
	[tilespmem:s16+$0x0] =	vst v2  }
0xe1: {  	v53 =	vimm.s32 $0x11;
	v20 =	vimm.s32 $0x2;
	s17 =	sadd.s32 $0x10, s17;
	s16 =	sadd.s32 $0x10, s16;
	[tilespmem:s15+$0x0] =	vst v0;
	v0 =	vimm.s32 $0x0;
	s15 =	sadd.s32 $0x10, s15  }
0xe2: {  	[hbm4b:s4+s2] =	stream.linear.scatter [tilespmem:s10], [sflag:$0x1], $0x200, $0x38;
	[tilespmem:$0x8800] =	vst v63  }
0xe3: {  	_ =	swait.ge [sflag:s9], $0x200  }
0xe4: {  	[sflag:s9] =	ssyncset.done $0x0  }
0xe5: {  	[sflag:s9] =	ssyncadd.s32 $0xFFFFFE00  }
0xe6: {  	[hbm4b:s5+s2] =	stream.linear.scatter [tilespmem:s11], [sflag:$0x1], $0x200, $0x38;
	[tilespmem:$0x8800] =	vst v63  }
0xe7: {  	_ =	swait.ge [sflag:s9], $0x200  }
0xe8: {  	[sflag:s9] =	ssyncset.done $0x0  }
0xe9: {  	[sflag:s9] =	ssyncadd.s32 $0xFFFFFE00  }
0xea: {  	[hbm4b:s6+s2] =	stream.linear.scatter [tilespmem:s12], [sflag:$0x1], $0x200, $0x38;
	[tilespmem:$0x8800] =	vst v63  }
0xeb: {  	s14 =	sadd.s32 $0x1, s14;
	_ =	swait.ge [sflag:s9], $0x200  }
0xec: {  	p0 =	sne.s32 s14, s8;
	[sflag:s9] =	ssyncset.done $0x0  }
.Ltmp1:
0xed: {  	[sflag:s9] =	ssyncadd.s32 $0xFFFFFE00;
	(pc) =	sbr.rel @p0 .LBB2_1-.Ltmp1, $4  }
0xee: {  	[hbm4b:s7+s2] =	stream.linear.scatter [tilespmem:s13], [sflag:$0x1], $0x200, $0x38;
	[tilespmem:$0x8800] =	vst v63  }
0xef: {  	_ =	swait.ge [sflag:s9], $0x200  }
0xf0: {  	[sflag:s9] =	ssyncset.done $0x0  }
0xf1: {  	[sflag:s9] =	ssyncadd.s32 $0xFFFFFE00  }
0xf2: {  	_ =	sfence.sel $0x180000  }
0xf3: {  	[bflag:$0x0] =	sbarrier.arrive $0xFFFF  }
0xf4: {  	p0 =	sne.s32 s1, $0x0;
	_ =	strace $0x90000047  }
0xf5: {  	s0 =	sadd.s32 @!p0 $0x100000, s0;
	[bflag:$0x2] =	sbarrier.arrive $0xFFFF  }
0xf6: {  	[sflag:s0] =	ssyncadd.tile.s32 @!p0 $0x1;
	_ =	shalt  }
.Lfunc_end2:
_tile_overlayer_lowered:
.L_overlay_start_2:
0xf7: {  	(tag) =	ssettag $0x2  }
0xf8: {  	s0 =	rddreg [dreg:$0x0];
	s2 =	stileid.u32  }
0xf9: {  	s1 =	rddreg [dreg:$0x1];
	p0 =	sne.s32 s2, $0x0  }
0xfa: {  	s3 =	rddreg [dreg:$0x2];
	[bflag:$0x3] =	sbarrier.arrive $0xFFFF;
	s2 =	simm.s32 @!p0 $0x1C01  }
0xfb: {  	[timem:s3], [sflag:s2] =	dma.local @!p0 [hbm:s0], s1  }
0xfc: {  	s0 =	simm.s32 @!p0 $0x1  }
0xfd: {  	_ =	swait.ge @!p0 [sflag:s0], s1  }
0xfe: {  	s1 =	ssub.s32 @!p0 $0x0, s1;
	[sflag:s0] =	ssyncset.done @!p0 $0x0  }
0xff: {  	[sflag:s0] =	ssyncadd.s32 @!p0 s1  }
0x100: {  	[bflag:$0x3] =	sbarrier.arrive $0xFFFF  }
0x101: {  	_ =	shalt  }

</sc_bundles>
